<compile_context>
chip_gen: v7x
topology: tpu7x:2x2x1
jax: 0.10.2.dev20260603
libtpu: 0.0.44.dev20260713+nightly
codegen_flags: <defaults>
</compile_context>

<pallas_src>
import functools

import jax
import jax.numpy as jnp
from jax import lax
from jax.experimental import pallas as pl
from jax.experimental.pallas import tpu as pltpu
from jax.experimental.pallas import tpu_sc as plsc

NC = 2
NS = 16
CHUNK = 128
NBUF = 2


def _mm_body(x_ref, s_ref, w1_ref, w2_ref, b_ref, h_ref):
    h = jnp.dot(x_ref[...], w1_ref[...], preferred_element_type=jnp.float32)
    h = h + jnp.dot(s_ref[...], w2_ref[...], preferred_element_type=jnp.float32)
    h_ref[...] = h + b_ref[...]


def _matmul(x, s, w1, w2, b, block_rows):
    n, d = x.shape
    d_out = w1.shape[1]
    grid = (n // block_rows,)
    return pl.pallas_call(
        _mm_body,
        grid=grid,
        in_specs=[
            pl.BlockSpec((block_rows, d), lambda i: (i, 0)),
            pl.BlockSpec((1, s.shape[1]), lambda i: (0, 0)),
            pl.BlockSpec((d, d_out), lambda i: (0, 0)),
            pl.BlockSpec((s.shape[1], d_out), lambda i: (0, 0)),
            pl.BlockSpec((1, d_out), lambda i: (0, 0)),
        ],
        out_specs=pl.BlockSpec((block_rows, d_out), lambda i: (i, 0)),
        out_shape=jax.ShapeDtypeStruct((n, d_out), jnp.float32),
    )(x, s, w1, w2, b)


def _add_body(a_ref, b_ref, o_ref):
    o_ref[...] = a_ref[...] + b_ref[...]


def _add(a, b, block_rows):
    n, d = a.shape
    grid = (n // block_rows,)
    spec = pl.BlockSpec((block_rows, d), lambda i: (i, 0))
    return pl.pallas_call(
        _add_body,
        grid=grid,
        in_specs=[spec, spec],
        out_specs=spec,
        out_shape=jax.ShapeDtypeStruct((n, d), jnp.float32),
    )(a, b)


def _make_sc_scatter(n, d_out, ch):
    acc_rows = ((n + 1 + NS - 1) // NS) * NS
    zrows = acc_rows // NS
    rpt = (n // NS) // 8 * 8
    tail = n - NS * rpt
    mesh = plsc.VectorSubcoreMesh(
        core_axis_name="c", subcore_axis_name="s", num_cores=NC, num_subcores=NS
    )

    ph = ch // 2

    @functools.partial(
        pl.kernel,
        mesh=mesh,
        out_type=[
            jax.ShapeDtypeStruct((n, d_out), jnp.float32),
            jax.ShapeDtypeStruct((n, d_out), jnp.float32),
        ],
        scratch_types=[
            pltpu.VMEM((ph, CHUNK), jnp.int32),
            pltpu.VMEM((ph, CHUNK), jnp.int32),
        ]
        + [pltpu.VMEM((CHUNK, d_out), jnp.float32) for _ in range(NBUF)]
        + [pltpu.VMEM_SHARED((acc_rows, d_out), jnp.float32)]
        + [pltpu.SemaphoreType.DMA for _ in range(NBUF)],
    )
    def sc_kernel(h, src_h, dst_h, o0, o1, srcv, dstv, *rest):
        bufs = rest[:NBUF]
        acc = rest[NBUF]
        gsem = rest[NBUF + 1:]
        c = lax.axis_index("c")
        s = lax.axis_index("s")
        wid = c * NS + s

        zero16 = jnp.zeros((16,), jnp.float32)

        def zrow(i, carry):
            for j in range(d_out // 16):
                bufs[0][i, pl.ds(j * 16, 16)] = zero16
            return carry

        lax.fori_loop(0, CHUNK, zrow, 0)
        base = s * zrows
        nfull = zrows // CHUNK
        for k in range(nfull):
            pltpu.sync_copy(bufs[0], acc.at[pl.ds(base + k * CHUNK, CHUNK)])
        rem = zrows - nfull * CHUNK
        if rem:
            pltpu.sync_copy(
                bufs[0].at[pl.ds(0, rem)], acc.at[pl.ds(base + nfull * CHUNK, rem)]
            )

        plsc.subcore_barrier()

        def g_start(j, b):
            pltpu.async_copy(h.at[srcv.at[j]], bufs[b], gsem[b])

        def g_wait(b):
            pltpu.make_async_copy(h.at[pl.ds(0, CHUNK)], bufs[b], gsem[b]).wait()

        for p in range(2):
            pltpu.sync_copy(src_h.at[wid, pl.ds(p * ph, ph)], srcv)
            pltpu.sync_copy(dst_h.at[wid, pl.ds(p * ph, ph)], dstv)
            for b in range(NBUF):
                g_start(b, b)

            def trip(jj, carry):
                j0 = jj * NBUF
                for b in range(NBUF):
                    j = j0 + b
                    g_wait(b)
                    pltpu.sync_copy(bufs[b], acc.at[dstv.at[j]], add=True)

                    @pl.when(j + NBUF < ph)
                    def _(b=b, j=j):
                        g_start(j + NBUF, b)
                return carry

            lax.fori_loop(0, ph // NBUF, trip, 0)
        plsc.subcore_barrier()

        @pl.when(c == 0)
        def _():
            pltpu.sync_copy(acc.at[pl.ds(s * rpt, rpt)], o0.at[pl.ds(s * rpt, rpt)])
            if tail:
                @pl.when(s == 0)
                def _():
                    pltpu.sync_copy(
                        acc.at[pl.ds(NS * rpt, tail)], o0.at[pl.ds(NS * rpt, tail)]
                    )

        @pl.when(c == 1)
        def _():
            pltpu.sync_copy(acc.at[pl.ds(s * rpt, rpt)], o1.at[pl.ds(s * rpt, rpt)])
            if tail:
                @pl.when(s == 0)
                def _():
                    pltpu.sync_copy(
                        acc.at[pl.ds(NS * rpt, tail)], o1.at[pl.ds(NS * rpt, tail)]
                    )

    return sc_kernel


def kernel(x, scalars, p, edge_index, W, b):
    n, d = x.shape
    d_out = W.shape[1]
    e = edge_index.shape[1]

    w1 = W[:d]
    w2 = W[d:]
    s2d = scalars.reshape(1, -1).astype(jnp.float32)
    b2d = b.reshape(1, -1)
    h = _matmul(x, s2d, w1, w2, b2d, block_rows=2000)

    nw = NC * NS
    ch = (e + nw * CHUNK - 1) // (nw * CHUNK)
    ch = ((ch + 2 * NBUF - 1) // (2 * NBUF)) * (2 * NBUF)
    e_pad = nw * ch * CHUNK
    src = edge_index[0].astype(jnp.int32)
    dst = edge_index[1].astype(jnp.int32)
    pad = e_pad - e
    src = jnp.concatenate([src, jnp.zeros((pad,), jnp.int32)])
    dst = jnp.concatenate([dst, jnp.full((pad,), n, jnp.int32)])
    src3 = src.reshape(nw, ch, CHUNK)
    dst3 = dst.reshape(nw, ch, CHUNK)

    o0, o1 = _make_sc_scatter(n, d_out, ch)(h, src3, dst3)
    return _add(o0, o1, block_rows=2000)

# --- scband reference (transcript-rebuilt; emitter-appended) ---
"""Pipeline reference for scband-efn-4123168604885 (READ-ONLY COPY).

The authoritative reference and input builder live on the scoring server;
editing this copy changes nothing except your own understanding.
"""

import jax, jax.numpy as jnp
import numpy as np

N_NODES = 10000
N_EDGES = 320000
D_FEAT = 128
N_SCALARS = 4
D_IN = D_FEAT + N_SCALARS  # 132
D_OUT = 128


def setup_inputs(seed: int = 0) -> dict:
    key = jax.random.key(seed)
    k1, k2, k3, k4, k5, k6 = jax.random.split(key, 6)
    x = jax.random.normal(k1, (N_NODES, D_FEAT), dtype=jnp.float32)
    scalars = jax.random.normal(k2, (N_SCALARS,), dtype=jnp.float32)
    p = jax.random.normal(k3, (N_NODES, 3), dtype=jnp.float32)
    edge_index = jax.random.randint(k4, (2, N_EDGES), 0, N_NODES, dtype=jnp.int64)
    # nn parameters: single Linear(D_IN -> D_OUT), per init_kwargs nn=[132,128]
    W = jax.random.normal(k5, (D_IN, D_OUT), dtype=jnp.float32) * (1.0 / np.sqrt(D_IN))
    b = jax.random.normal(k6, (D_OUT,), dtype=jnp.float32) * 0.01
    return {"x": x, "scalars": scalars, "p": p, "edge_index": edge_index, "W": W, "b": b}


def reference(x, scalars, p, edge_index, W, b):
    # EFN.forward: expand global scalars to every node, concat, then PtConv(aggr='add')
    s = jnp.broadcast_to(scalars.reshape(1, -1), (x.shape[0], scalars.shape[0]))
    xx = jnp.concatenate([x, s], axis=1)
    # PtConv with aggr='add': message m_{j->i} = nn(x_j); out_i = sum_j m_{j->i}
    # nn depends only on source features, so apply nn once per node then scatter-add.
    h = xx @ W + b
    src = edge_index[0]
    dst = edge_index[1]
    msgs = jnp.take(h, src, axis=0)
    out = jax.ops.segment_sum(msgs, dst, num_segments=x.shape[0])
    return out

if __name__ == "__main__":
    import jax
    _d = setup_inputs()
    print(jax.jit(kernel)(*tuple(_d.values())))

</pallas_src>

<mosaic_0001>
#map = affine_map<(d0, d1) -> (0, 0)>
#map1 = affine_map<(d0, d1) -> (0, 0, 0)>
module attributes {stable_mosaic.version = 14 : i64} {
  func.func @sc_kernel(%arg0: i32, %arg1: i32, %arg2: memref<10000x128xf32, #tpu.memory_space<hbm>>, %arg3: memref<32x80x128xi32, #tpu.memory_space<hbm>>, %arg4: memref<32x80x128xi32, #tpu.memory_space<hbm>>, %arg5: memref<10000x128xf32, #tpu.memory_space<hbm>>, %arg6: memref<10000x128xf32, #tpu.memory_space<hbm>>, %arg7: memref<40x128xi32, #tpu.memory_space<vmem>>, %arg8: memref<40x128xi32, #tpu.memory_space<vmem>>, %arg9: memref<128x128xf32, #tpu.memory_space<vmem>>, %arg10: memref<128x128xf32, #tpu.memory_space<vmem>>, %arg11: memref<10016x128xf32, #tpu.memory_space<vmem_shared>>, %arg12: memref<!tpu.dma_semaphore, #tpu.memory_space<semaphore_mem>>, %arg13: memref<!tpu.dma_semaphore, #tpu.memory_space<semaphore_mem>>) attributes {dimension_semantics = [#tpu.dimension_semantics<core_parallel>, #tpu.dimension_semantics<subcore_parallel>], iteration_bounds = array<i64: 2, 16>, scalar_prefetch = 0 : i64, scratch_operands = 7 : i64, tpu.core_type = #tpu.core_type<sc_vector_subcore>, window_params = [{transform_indices = #map}, {transform_indices = #map1}, {transform_indices = #map1}, {transform_indices = #map}, {transform_indices = #map}]} {
    %mul3A = arith.constant 16 : i32
    %mul3A_0 = arith.muli %arg0, %mul3A : i32
    %add3A = arith.addi %mul3A_0, %arg1 : i32
    %broadcast_in_dim3A = arith.constant 0.000000e+00 : f32
    %broadcast_in_dim3A_1 = vector.broadcast %broadcast_in_dim3A : f32 to vector<16xf32>
    %scan3A = arith.constant 0 : i32
    %scan3A_2 = arith.constant 0 : i32
    %scan3A_3 = arith.constant 128 : i32
    %scan3A_4 = arith.addi %scan3A_2, %scan3A_3 : i32
    %scan3A_5 = arith.constant 1 : i32
    scf.for %scan3A_66 = %scan3A_2 to %scan3A_4 step %scan3A_5  : i32 {
      %swap3A = arith.index_cast %scan3A_66 : i32 to index
      %swap3A_67 = arith.constant 0 : index
      %swap3A_68 = tpu.vector_load %arg9[%swap3A, %swap3A_67] {strides = array<i32>} : memref<128x128xf32, #tpu.memory_space<vmem>>, vector<1x16xf32>,
      %swap3A_69 = vector.shape_cast %swap3A_68 : vector<1x16xf32> to vector<16xf32>
      %swap3A_70 = vector.shape_cast %broadcast_in_dim3A_1 : vector<16xf32> to vector<1x16xf32>
      tpu.vector_store %arg9[%swap3A, %swap3A_67], %swap3A_70 {strides = array<i32>} : memref<128x128xf32, #tpu.memory_space<vmem>>, vector<1x16xf32>,
      %swap3A_71 = arith.index_cast %scan3A_66 : i32 to index
      %swap3A_72 = arith.constant 16 : index
      %swap3A_73 = tpu.vector_load %arg9[%swap3A_71, %swap3A_72] {strides = array<i32>} : memref<128x128xf32, #tpu.memory_space<vmem>>, vector<1x16xf32>,
      %swap3A_74 = vector.shape_cast %swap3A_73 : vector<1x16xf32> to vector<16xf32>
      %swap3A_75 = vector.shape_cast %broadcast_in_dim3A_1 : vector<16xf32> to vector<1x16xf32>
      tpu.vector_store %arg9[%swap3A_71, %swap3A_72], %swap3A_75 {strides = array<i32>} : memref<128x128xf32, #tpu.memory_space<vmem>>, vector<1x16xf32>,
      %swap3A_76 = arith.index_cast %scan3A_66 : i32 to index
      %swap3A_77 = arith.constant 32 : index
      %swap3A_78 = tpu.vector_load %arg9[%swap3A_76, %swap3A_77] {strides = array<i32>} : memref<128x128xf32, #tpu.memory_space<vmem>>, vector<1x16xf32>,
      %swap3A_79 = vector.shape_cast %swap3A_78 : vector<1x16xf32> to vector<16xf32>
      %swap3A_80 = vector.shape_cast %broadcast_in_dim3A_1 : vector<16xf32> to vector<1x16xf32>
      tpu.vector_store %arg9[%swap3A_76, %swap3A_77], %swap3A_80 {strides = array<i32>} : memref<128x128xf32, #tpu.memory_space<vmem>>, vector<1x16xf32>,
      %swap3A_81 = arith.index_cast %scan3A_66 : i32 to index
      %swap3A_82 = arith.constant 48 : index
      %swap3A_83 = tpu.vector_load %arg9[%swap3A_81, %swap3A_82] {strides = array<i32>} : memref<128x128xf32, #tpu.memory_space<vmem>>, vector<1x16xf32>,
      %swap3A_84 = vector.shape_cast %swap3A_83 : vector<1x16xf32> to vector<16xf32>
      %swap3A_85 = vector.shape_cast %broadcast_in_dim3A_1 : vector<16xf32> to vector<1x16xf32>
      tpu.vector_store %arg9[%swap3A_81, %swap3A_82], %swap3A_85 {strides = array<i32>} : memref<128x128xf32, #tpu.memory_space<vmem>>, vector<1x16xf32>,
      %swap3A_86 = arith.index_cast %scan3A_66 : i32 to index
      %swap3A_87 = arith.constant 64 : index
      %swap3A_88 = tpu.vector_load %arg9[%swap3A_86, %swap3A_87] {strides = array<i32>} : memref<128x128xf32, #tpu.memory_space<vmem>>, vector<1x16xf32>,
      %swap3A_89 = vector.shape_cast %swap3A_88 : vector<1x16xf32> to vector<16xf32>
      %swap3A_90 = vector.shape_cast %broadcast_in_dim3A_1 : vector<16xf32> to vector<1x16xf32>
      tpu.vector_store %arg9[%swap3A_86, %swap3A_87], %swap3A_90 {strides = array<i32>} : memref<128x128xf32, #tpu.memory_space<vmem>>, vector<1x16xf32>,
      %swap3A_91 = arith.index_cast %scan3A_66 : i32 to index
      %swap3A_92 = arith.constant 80 : index
      %swap3A_93 = tpu.vector_load %arg9[%swap3A_91, %swap3A_92] {strides = array<i32>} : memref<128x128xf32, #tpu.memory_space<vmem>>, vector<1x16xf32>,
      %swap3A_94 = vector.shape_cast %swap3A_93 : vector<1x16xf32> to vector<16xf32>
      %swap3A_95 = vector.shape_cast %broadcast_in_dim3A_1 : vector<16xf32> to vector<1x16xf32>
      tpu.vector_store %arg9[%swap3A_91, %swap3A_92], %swap3A_95 {strides = array<i32>} : memref<128x128xf32, #tpu.memory_space<vmem>>, vector<1x16xf32>,
      %swap3A_96 = arith.index_cast %scan3A_66 : i32 to index
      %swap3A_97 = arith.constant 96 : index
      %swap3A_98 = tpu.vector_load %arg9[%swap3A_96, %swap3A_97] {strides = array<i32>} : memref<128x128xf32, #tpu.memory_space<vmem>>, vector<1x16xf32>,
      %swap3A_99 = vector.shape_cast %swap3A_98 : vector<1x16xf32> to vector<16xf32>
      %swap3A_100 = vector.shape_cast %broadcast_in_dim3A_1 : vector<16xf32> to vector<1x16xf32>
      tpu.vector_store %arg9[%swap3A_96, %swap3A_97], %swap3A_100 {strides = array<i32>} : memref<128x128xf32, #tpu.memory_space<vmem>>, vector<1x16xf32>,
      %swap3A_101 = arith.index_cast %scan3A_66 : i32 to index
      %swap3A_102 = arith.constant 112 : index
      %swap3A_103 = tpu.vector_load %arg9[%swap3A_101, %swap3A_102] {strides = array<i32>} : memref<128x128xf32, #tpu.memory_space<vmem>>, vector<1x16xf32>,
      %swap3A_104 = vector.shape_cast %swap3A_103 : vector<1x16xf32> to vector<16xf32>
      %swap3A_105 = vector.shape_cast %broadcast_in_dim3A_1 : vector<16xf32> to vector<1x16xf32>
      tpu.vector_store %arg9[%swap3A_101, %swap3A_102], %swap3A_105 {strides = array<i32>} : memref<128x128xf32, #tpu.memory_space<vmem>>, vector<1x16xf32>,
    }
    %scan3A_6 = arith.constant 128 : i32
    %mul3A_7 = arith.constant 626 : i32
    %mul3A_8 = arith.muli %arg1, %mul3A_7 : i32
    %add3A_9 = arith.constant 0 : i32
    %add3A_10 = arith.addi %mul3A_8, %add3A_9 : i32
    "tpu.region"() ({
      %run_scoped3A = tpu.sem_alloc : memref<!tpu.dma_semaphore, #tpu.memory_space<semaphore_mem>>
      %dma_start3A_66 = arith.constant 0 : i32
      %dma_start3A_67 = tpu.memref_slice %arg11[%add3A_10, %dma_start3A_66] : memref<10016x128xf32, #tpu.memory_space<vmem_shared>> -> memref<128x128xf32, #tpu.memory_space<vmem_shared>>
      %dma_start3A_68 = arith.constant 0 : i32
      %dma_start3A_69 = tpu.memref_slice %arg11[%add3A_10, %dma_start3A_68] : memref<10016x128xf32, #tpu.memory_space<vmem_shared>> -> memref<128x128xf32, #tpu.memory_space<vmem_shared>>
      tpu.enqueue_dma source(%arg9 : memref<128x128xf32, #tpu.memory_space<vmem>>) target(%dma_start3A_69 : memref<128x128xf32, #tpu.memory_space<vmem_shared>>) target_semaphore(%run_scoped3A : memref<!tpu.dma_semaphore, #tpu.memory_space<semaphore_mem>>)
      %dma_wait3A = arith.constant 0 : i32
      %dma_wait3A_70 = tpu.memref_slice %arg11[%add3A_10, %dma_wait3A] : memref<10016x128xf32, #tpu.memory_space<vmem_shared>> -> memref<128x128xf32, #tpu.memory_space<vmem_shared>>
      %dma_wait3A_71 = arith.constant 0 : i32
      %dma_wait3A_72 = tpu.memref_slice %arg11[%add3A_10, %dma_wait3A_71] : memref<10016x128xf32, #tpu.memory_space<vmem_shared>> -> memref<128x128xf32, #tpu.memory_space<vmem_shared>>
      tpu.wait_dma2 semaphore(%run_scoped3A : memref<!tpu.dma_semaphore, #tpu.memory_space<semaphore_mem>>) src(%arg9 : memref<128x128xf32, #tpu.memory_space<vmem>>) dst(%dma_wait3A_72 : memref<128x128xf32, #tpu.memory_space<vmem_shared>>)
      tpu.yield
    }) : () -> ()
    %add3A_11 = arith.constant 128 : i32
    %add3A_12 = arith.addi %mul3A_8, %add3A_11 : i32
    "tpu.region"() ({
      %run_scoped3A = tpu.sem_alloc : memref<!tpu.dma_semaphore, #tpu.memory_space<semaphore_mem>>
      %dma_start3A_66 = arith.constant 0 : i32
      %dma_start3A_67 = tpu.memref_slice %arg11[%add3A_12, %dma_start3A_66] : memref<10016x128xf32, #tpu.memory_space<vmem_shared>> -> memref<128x128xf32, #tpu.memory_space<vmem_shared>>
      %dma_start3A_68 = arith.constant 0 : i32
      %dma_start3A_69 = tpu.memref_slice %arg11[%add3A_12, %dma_start3A_68] : memref<10016x128xf32, #tpu.memory_space<vmem_shared>> -> memref<128x128xf32, #tpu.memory_space<vmem_shared>>
      tpu.enqueue_dma source(%arg9 : memref<128x128xf32, #tpu.memory_space<vmem>>) target(%dma_start3A_69 : memref<128x128xf32, #tpu.memory_space<vmem_shared>>) target_semaphore(%run_scoped3A : memref<!tpu.dma_semaphore, #tpu.memory_space<semaphore_mem>>)
      %dma_wait3A = arith.constant 0 : i32
      %dma_wait3A_70 = tpu.memref_slice %arg11[%add3A_12, %dma_wait3A] : memref<10016x128xf32, #tpu.memory_space<vmem_shared>> -> memref<128x128xf32, #tpu.memory_space<vmem_shared>>
      %dma_wait3A_71 = arith.constant 0 : i32
      %dma_wait3A_72 = tpu.memref_slice %arg11[%add3A_12, %dma_wait3A_71] : memref<10016x128xf32, #tpu.memory_space<vmem_shared>> -> memref<128x128xf32, #tpu.memory_space<vmem_shared>>
      tpu.wait_dma2 semaphore(%run_scoped3A : memref<!tpu.dma_semaphore, #tpu.memory_space<semaphore_mem>>) src(%arg9 : memref<128x128xf32, #tpu.memory_space<vmem>>) dst(%dma_wait3A_72 : memref<128x128xf32, #tpu.memory_space<vmem_shared>>)
      tpu.yield
    }) : () -> ()
    %add3A_13 = arith.constant 256 : i32
    %add3A_14 = arith.addi %mul3A_8, %add3A_13 : i32
    "tpu.region"() ({
      %run_scoped3A = tpu.sem_alloc : memref<!tpu.dma_semaphore, #tpu.memory_space<semaphore_mem>>
      %dma_start3A_66 = arith.constant 0 : i32
      %dma_start3A_67 = tpu.memref_slice %arg11[%add3A_14, %dma_start3A_66] : memref<10016x128xf32, #tpu.memory_space<vmem_shared>> -> memref<128x128xf32, #tpu.memory_space<vmem_shared>>
      %dma_start3A_68 = arith.constant 0 : i32
      %dma_start3A_69 = tpu.memref_slice %arg11[%add3A_14, %dma_start3A_68] : memref<10016x128xf32, #tpu.memory_space<vmem_shared>> -> memref<128x128xf32, #tpu.memory_space<vmem_shared>>
      tpu.enqueue_dma source(%arg9 : memref<128x128xf32, #tpu.memory_space<vmem>>) target(%dma_start3A_69 : memref<128x128xf32, #tpu.memory_space<vmem_shared>>) target_semaphore(%run_scoped3A : memref<!tpu.dma_semaphore, #tpu.memory_space<semaphore_mem>>)
      %dma_wait3A = arith.constant 0 : i32
      %dma_wait3A_70 = tpu.memref_slice %arg11[%add3A_14, %dma_wait3A] : memref<10016x128xf32, #tpu.memory_space<vmem_shared>> -> memref<128x128xf32, #tpu.memory_space<vmem_shared>>
      %dma_wait3A_71 = arith.constant 0 : i32
      %dma_wait3A_72 = tpu.memref_slice %arg11[%add3A_14, %dma_wait3A_71] : memref<10016x128xf32, #tpu.memory_space<vmem_shared>> -> memref<128x128xf32, #tpu.memory_space<vmem_shared>>
      tpu.wait_dma2 semaphore(%run_scoped3A : memref<!tpu.dma_semaphore, #tpu.memory_space<semaphore_mem>>) src(%arg9 : memref<128x128xf32, #tpu.memory_space<vmem>>) dst(%dma_wait3A_72 : memref<128x128xf32, #tpu.memory_space<vmem_shared>>)
      tpu.yield
    }) : () -> ()
    %add3A_15 = arith.constant 384 : i32
    %add3A_16 = arith.addi %mul3A_8, %add3A_15 : i32
    "tpu.region"() ({
      %run_scoped3A = tpu.sem_alloc : memref<!tpu.dma_semaphore, #tpu.memory_space<semaphore_mem>>
      %dma_start3A_66 = arith.constant 0 : i32
      %dma_start3A_67 = tpu.memref_slice %arg11[%add3A_16, %dma_start3A_66] : memref<10016x128xf32, #tpu.memory_space<vmem_shared>> -> memref<128x128xf32, #tpu.memory_space<vmem_shared>>
      %dma_start3A_68 = arith.constant 0 : i32
      %dma_start3A_69 = tpu.memref_slice %arg11[%add3A_16, %dma_start3A_68] : memref<10016x128xf32, #tpu.memory_space<vmem_shared>> -> memref<128x128xf32, #tpu.memory_space<vmem_shared>>
      tpu.enqueue_dma source(%arg9 : memref<128x128xf32, #tpu.memory_space<vmem>>) target(%dma_start3A_69 : memref<128x128xf32, #tpu.memory_space<vmem_shared>>) target_semaphore(%run_scoped3A : memref<!tpu.dma_semaphore, #tpu.memory_space<semaphore_mem>>)
      %dma_wait3A = arith.constant 0 : i32
      %dma_wait3A_70 = tpu.memref_slice %arg11[%add3A_16, %dma_wait3A] : memref<10016x128xf32, #tpu.memory_space<vmem_shared>> -> memref<128x128xf32, #tpu.memory_space<vmem_shared>>
      %dma_wait3A_71 = arith.constant 0 : i32
      %dma_wait3A_72 = tpu.memref_slice %arg11[%add3A_16, %dma_wait3A_71] : memref<10016x128xf32, #tpu.memory_space<vmem_shared>> -> memref<128x128xf32, #tpu.memory_space<vmem_shared>>
      tpu.wait_dma2 semaphore(%run_scoped3A : memref<!tpu.dma_semaphore, #tpu.memory_space<semaphore_mem>>) src(%arg9 : memref<128x128xf32, #tpu.memory_space<vmem>>) dst(%dma_wait3A_72 : memref<128x128xf32, #tpu.memory_space<vmem_shared>>)
      tpu.yield
    }) : () -> ()
    %add3A_17 = arith.constant 512 : i32
    %add3A_18 = arith.addi %mul3A_8, %add3A_17 : i32
    "tpu.region"() ({
      %run_scoped3A = tpu.sem_alloc : memref<!tpu.dma_semaphore, #tpu.memory_space<semaphore_mem>>
      %dma_start3A_66 = arith.constant 0 : i32
      %dma_start3A_67 = arith.constant 0 : i32
      %dma_start3A_68 = tpu.memref_slice %arg9[%dma_start3A_66, %dma_start3A_67] : memref<128x128xf32, #tpu.memory_space<vmem>> -> memref<114x128xf32, #tpu.memory_space<vmem>>
      %dma_start3A_69 = arith.constant 0 : i32
      %dma_start3A_70 = tpu.memref_slice %arg11[%add3A_18, %dma_start3A_69] : memref<10016x128xf32, #tpu.memory_space<vmem_shared>> -> memref<114x128xf32, #tpu.memory_space<vmem_shared>>
      %dma_start3A_71 = arith.constant 0 : i32
      %dma_start3A_72 = tpu.memref_slice %arg11[%add3A_18, %dma_start3A_71] : memref<10016x128xf32, #tpu.memory_space<vmem_shared>> -> memref<114x128xf32, #tpu.memory_space<vmem_shared>>
      %dma_start3A_73 = arith.constant 0 : i32
      %dma_start3A_74 = arith.constant 0 : i32
      %dma_start3A_75 = tpu.memref_slice %arg9[%dma_start3A_73, %dma_start3A_74] : memref<128x128xf32, #tpu.memory_space<vmem>> -> memref<114x128xf32, #tpu.memory_space<vmem>>
      tpu.enqueue_dma source(%dma_start3A_75 : memref<114x128xf32, #tpu.memory_space<vmem>>) target(%dma_start3A_72 : memref<114x128xf32, #tpu.memory_space<vmem_shared>>) target_semaphore(%run_scoped3A : memref<!tpu.dma_semaphore, #tpu.memory_space<semaphore_mem>>)
      %dma_wait3A = arith.constant 0 : i32
      %dma_wait3A_76 = arith.constant 0 : i32
      %dma_wait3A_77 = tpu.memref_slice %arg9[%dma_wait3A, %dma_wait3A_76] : memref<128x128xf32, #tpu.memory_space<vmem>> -> memref<114x128xf32, #tpu.memory_space<vmem>>
      %dma_wait3A_78 = arith.constant 0 : i32
      %dma_wait3A_79 = tpu.memref_slice %arg11[%add3A_18, %dma_wait3A_78] : memref<10016x128xf32, #tpu.memory_space<vmem_shared>> -> memref<114x128xf32, #tpu.memory_space<vmem_shared>>
      %dma_wait3A_80 = arith.constant 0 : i32
      %dma_wait3A_81 = tpu.memref_slice %arg11[%add3A_18, %dma_wait3A_80] : memref<10016x128xf32, #tpu.memory_space<vmem_shared>> -> memref<114x128xf32, #tpu.memory_space<vmem_shared>>
      %dma_wait3A_82 = arith.constant 0 : i32
      %dma_wait3A_83 = arith.constant 0 : i32
      %dma_wait3A_84 = tpu.memref_slice %arg9[%dma_wait3A_82, %dma_wait3A_83] : memref<128x128xf32, #tpu.memory_space<vmem>> -> memref<114x128xf32, #tpu.memory_space<vmem>>
      tpu.wait_dma2 semaphore(%run_scoped3A : memref<!tpu.dma_semaphore, #tpu.memory_space<semaphore_mem>>) src(%dma_wait3A_84 : memref<114x128xf32, #tpu.memory_space<vmem>>) dst(%dma_wait3A_81 : memref<114x128xf32, #tpu.memory_space<vmem_shared>>)
      tpu.yield
    }) : () -> ()
    %barrier3A = arith.constant 0 : index
    tpu.barrier barrier_id(%barrier3A)
    "tpu.region"() ({
      %run_scoped3A = tpu.sem_alloc : memref<!tpu.dma_semaphore, #tpu.memory_space<semaphore_mem>>
      %dma_start3A_66 = arith.constant 0 : i32
      %dma_start3A_67 = arith.constant 0 : i32
      %dma_start3A_68 = tpu.memref_slice %arg3[%add3A, %dma_start3A_66, %dma_start3A_67] : memref<32x80x128xi32, #tpu.memory_space<hbm>> -> memref<1x40x128xi32, #tpu.memory_space<hbm>>
      %dma_start3A_69 = tpu.memref_squeeze %dma_start3A_68 : memref<1x40x128xi32, #tpu.memory_space<hbm>> -> memref<40x128xi32, #tpu.memory_space<hbm>>
      %dma_start3A_70 = arith.constant 0 : i32
      %dma_start3A_71 = arith.constant 0 : i32
      %dma_start3A_72 = tpu.memref_slice %arg3[%add3A, %dma_start3A_70, %dma_start3A_71] : memref<32x80x128xi32, #tpu.memory_space<hbm>> -> memref<1x40x128xi32, #tpu.memory_space<hbm>>
      %dma_start3A_73 = tpu.memref_squeeze %dma_start3A_72 : memref<1x40x128xi32, #tpu.memory_space<hbm>> -> memref<40x128xi32, #tpu.memory_space<hbm>>
      tpu.enqueue_dma source(%dma_start3A_73 : memref<40x128xi32, #tpu.memory_space<hbm>>) target(%arg7 : memref<40x128xi32, #tpu.memory_space<vmem>>) target_semaphore(%run_scoped3A : memref<!tpu.dma_semaphore, #tpu.memory_space<semaphore_mem>>)
      %dma_wait3A = arith.constant 0 : i32
      %dma_wait3A_74 = arith.constant 0 : i32
      %dma_wait3A_75 = tpu.memref_slice %arg3[%add3A, %dma_wait3A, %dma_wait3A_74] : memref<32x80x128xi32, #tpu.memory_space<hbm>> -> memref<1x40x128xi32, #tpu.memory_space<hbm>>
      %dma_wait3A_76 = tpu.memref_squeeze %dma_wait3A_75 : memref<1x40x128xi32, #tpu.memory_space<hbm>> -> memref<40x128xi32, #tpu.memory_space<hbm>>
      %dma_wait3A_77 = arith.constant 0 : i32
      %dma_wait3A_78 = arith.constant 0 : i32
      %dma_wait3A_79 = tpu.memref_slice %arg3[%add3A, %dma_wait3A_77, %dma_wait3A_78] : memref<32x80x128xi32, #tpu.memory_space<hbm>> -> memref<1x40x128xi32, #tpu.memory_space<hbm>>
      %dma_wait3A_80 = tpu.memref_squeeze %dma_wait3A_79 : memref<1x40x128xi32, #tpu.memory_space<hbm>> -> memref<40x128xi32, #tpu.memory_space<hbm>>
      tpu.wait_dma2 semaphore(%run_scoped3A : memref<!tpu.dma_semaphore, #tpu.memory_space<semaphore_mem>>) src(%dma_wait3A_80 : memref<40x128xi32, #tpu.memory_space<hbm>>) dst(%arg7 : memref<40x128xi32, #tpu.memory_space<vmem>>)
      tpu.yield
    }) : () -> ()
    "tpu.region"() ({
      %run_scoped3A = tpu.sem_alloc : memref<!tpu.dma_semaphore, #tpu.memory_space<semaphore_mem>>
      %dma_start3A_66 = arith.constant 0 : i32
      %dma_start3A_67 = arith.constant 0 : i32
      %dma_start3A_68 = tpu.memref_slice %arg4[%add3A, %dma_start3A_66, %dma_start3A_67] : memref<32x80x128xi32, #tpu.memory_space<hbm>> -> memref<1x40x128xi32, #tpu.memory_space<hbm>>
      %dma_start3A_69 = tpu.memref_squeeze %dma_start3A_68 : memref<1x40x128xi32, #tpu.memory_space<hbm>> -> memref<40x128xi32, #tpu.memory_space<hbm>>
      %dma_start3A_70 = arith.constant 0 : i32
      %dma_start3A_71 = arith.constant 0 : i32
      %dma_start3A_72 = tpu.memref_slice %arg4[%add3A, %dma_start3A_70, %dma_start3A_71] : memref<32x80x128xi32, #tpu.memory_space<hbm>> -> memref<1x40x128xi32, #tpu.memory_space<hbm>>
      %dma_start3A_73 = tpu.memref_squeeze %dma_start3A_72 : memref<1x40x128xi32, #tpu.memory_space<hbm>> -> memref<40x128xi32, #tpu.memory_space<hbm>>
      tpu.enqueue_dma source(%dma_start3A_73 : memref<40x128xi32, #tpu.memory_space<hbm>>) target(%arg8 : memref<40x128xi32, #tpu.memory_space<vmem>>) target_semaphore(%run_scoped3A : memref<!tpu.dma_semaphore, #tpu.memory_space<semaphore_mem>>)
      %dma_wait3A = arith.constant 0 : i32
      %dma_wait3A_74 = arith.constant 0 : i32
      %dma_wait3A_75 = tpu.memref_slice %arg4[%add3A, %dma_wait3A, %dma_wait3A_74] : memref<32x80x128xi32, #tpu.memory_space<hbm>> -> memref<1x40x128xi32, #tpu.memory_space<hbm>>
      %dma_wait3A_76 = tpu.memref_squeeze %dma_wait3A_75 : memref<1x40x128xi32, #tpu.memory_space<hbm>> -> memref<40x128xi32, #tpu.memory_space<hbm>>
      %dma_wait3A_77 = arith.constant 0 : i32
      %dma_wait3A_78 = arith.constant 0 : i32
      %dma_wait3A_79 = tpu.memref_slice %arg4[%add3A, %dma_wait3A_77, %dma_wait3A_78] : memref<32x80x128xi32, #tpu.memory_space<hbm>> -> memref<1x40x128xi32, #tpu.memory_space<hbm>>
      %dma_wait3A_80 = tpu.memref_squeeze %dma_wait3A_79 : memref<1x40x128xi32, #tpu.memory_space<hbm>> -> memref<40x128xi32, #tpu.memory_space<hbm>>
      tpu.wait_dma2 semaphore(%run_scoped3A : memref<!tpu.dma_semaphore, #tpu.memory_space<semaphore_mem>>) src(%dma_wait3A_80 : memref<40x128xi32, #tpu.memory_space<hbm>>) dst(%arg8 : memref<40x128xi32, #tpu.memory_space<vmem>>)
      tpu.yield
    }) : () -> ()
    %dma_start3A = arith.constant 0 : i32
    %dma_start3A_19 = arith.constant 0 : i32
    %dma_start3A_20 = tpu.memref_slice %arg7[%dma_start3A, %dma_start3A_19] : memref<40x128xi32, #tpu.memory_space<vmem>> -> memref<1x128xi32, #tpu.memory_space<vmem>>
    %dma_start3A_21 = tpu.memref_squeeze %dma_start3A_20 : memref<1x128xi32, #tpu.memory_space<vmem>> -> memref<128xi32, #tpu.memory_space<vmem>>
    %dma_start3A_22 = arith.constant 0 : i32
    %dma_start3A_23 = arith.constant 0 : i32
    %dma_start3A_24 = tpu.memref_slice %arg2[%dma_start3A_22, %dma_start3A_23] : memref<10000x128xf32, #tpu.memory_space<hbm>> -> memref<10000x128xf32, #tpu.memory_space<hbm>>
    tpu.enqueue_indirect_dma source(%dma_start3A_24 : memref<10000x128xf32, #tpu.memory_space<hbm>>) target(%arg9 : memref<128x128xf32, #tpu.memory_space<vmem>>) offsets(%dma_start3A_21 : memref<128xi32, #tpu.memory_space<vmem>>) semaphore(%arg12 : memref<!tpu.dma_semaphore, #tpu.memory_space<semaphore_mem>>)
    %dma_start3A_25 = arith.constant 1 : i32
    %dma_start3A_26 = arith.constant 0 : i32
    %dma_start3A_27 = tpu.memref_slice %arg7[%dma_start3A_25, %dma_start3A_26] : memref<40x128xi32, #tpu.memory_space<vmem>> -> memref<1x128xi32, #tpu.memory_space<vmem>>
    %dma_start3A_28 = tpu.memref_squeeze %dma_start3A_27 : memref<1x128xi32, #tpu.memory_space<vmem>> -> memref<128xi32, #tpu.memory_space<vmem>>
    %dma_start3A_29 = arith.constant 0 : i32
    %dma_start3A_30 = arith.constant 0 : i32
    %dma_start3A_31 = tpu.memref_slice %arg2[%dma_start3A_29, %dma_start3A_30] : memref<10000x128xf32, #tpu.memory_space<hbm>> -> memref<10000x128xf32, #tpu.memory_space<hbm>>
    tpu.enqueue_indirect_dma source(%dma_start3A_31 : memref<10000x128xf32, #tpu.memory_space<hbm>>) target(%arg10 : memref<128x128xf32, #tpu.memory_space<vmem>>) offsets(%dma_start3A_28 : memref<128xi32, #tpu.memory_space<vmem>>) semaphore(%arg13 : memref<!tpu.dma_semaphore, #tpu.memory_space<semaphore_mem>>)
    %scan3A_32 = arith.constant 0 : i32
    %scan3A_33 = arith.constant 0 : i32
    %scan3A_34 = arith.constant 20 : i32
    %scan3A_35 = arith.addi %scan3A_33, %scan3A_34 : i32
    %scan3A_36 = arith.constant 1 : i32
    scf.for %scan3A_66 = %scan3A_33 to %scan3A_35 step %scan3A_36  : i32 {
      %mul3A_67 = arith.constant 2 : i32
      %mul3A_68 = arith.muli %scan3A_66, %mul3A_67 : i32
      %add3A_69 = arith.constant 0 : i32
      %add3A_70 = arith.addi %mul3A_68, %add3A_69 : i32
      %dma_wait3A = arith.constant 0 : i32
      %dma_wait3A_71 = arith.constant 0 : i32
      %dma_wait3A_72 = tpu.memref_slice %arg2[%dma_wait3A, %dma_wait3A_71] : memref<10000x128xf32, #tpu.memory_space<hbm>> -> memref<128x128xf32, #tpu.memory_space<hbm>>
      %dma_wait3A_73 = arith.constant 0 : i32
      %dma_wait3A_74 = arith.constant 0 : i32
      %dma_wait3A_75 = tpu.memref_slice %arg2[%dma_wait3A_73, %dma_wait3A_74] : memref<10000x128xf32, #tpu.memory_space<hbm>> -> memref<128x128xf32, #tpu.memory_space<hbm>>
      tpu.wait_dma2 semaphore(%arg12 : memref<!tpu.dma_semaphore, #tpu.memory_space<semaphore_mem>>) src(%dma_wait3A_75 : memref<128x128xf32, #tpu.memory_space<hbm>>) dst(%arg9 : memref<128x128xf32, #tpu.memory_space<vmem>>)
      "tpu.region"() ({
        %run_scoped3A = tpu.sem_alloc : memref<!tpu.dma_semaphore, #tpu.memory_space<semaphore_mem>>
        %dma_start3A_97 = arith.constant 0 : i32
        %dma_start3A_98 = tpu.memref_slice %arg8[%add3A_70, %dma_start3A_97] : memref<40x128xi32, #tpu.memory_space<vmem>> -> memref<1x128xi32, #tpu.memory_space<vmem>>
        %dma_start3A_99 = tpu.memref_squeeze %dma_start3A_98 : memref<1x128xi32, #tpu.memory_space<vmem>> -> memref<128xi32, #tpu.memory_space<vmem>>
        %dma_start3A_100 = arith.constant 0 : i32
        %dma_start3A_101 = arith.constant 0 : i32
        %dma_start3A_102 = tpu.memref_slice %arg11[%dma_start3A_100, %dma_start3A_101] : memref<10016x128xf32, #tpu.memory_space<vmem_shared>> -> memref<10016x128xf32, #tpu.memory_space<vmem_shared>>
        tpu.enqueue_indirect_dma source(%arg9 : memref<128x128xf32, #tpu.memory_space<vmem>>) target(%dma_start3A_102 : memref<10016x128xf32, #tpu.memory_space<vmem_shared>>) offsets(%dma_start3A_99 : memref<128xi32, #tpu.memory_space<vmem>>) semaphore(%run_scoped3A : memref<!tpu.dma_semaphore, #tpu.memory_space<semaphore_mem>>) {add = true}
        %dma_wait3A_103 = arith.constant 0 : i32
        %dma_wait3A_104 = tpu.memref_slice %arg8[%add3A_70, %dma_wait3A_103] : memref<40x128xi32, #tpu.memory_space<vmem>> -> memref<1x128xi32, #tpu.memory_space<vmem>>
        %dma_wait3A_105 = tpu.memref_squeeze %dma_wait3A_104 : memref<1x128xi32, #tpu.memory_space<vmem>> -> memref<128xi32, #tpu.memory_space<vmem>>
        %dma_wait3A_106 = arith.constant 0 : i32
        %dma_wait3A_107 = arith.constant 0 : i32
        %dma_wait3A_108 = tpu.memref_slice %arg11[%dma_wait3A_106, %dma_wait3A_107] : memref<10016x128xf32, #tpu.memory_space<vmem_shared>> -> memref<10016x128xf32, #tpu.memory_space<vmem_shared>>
        tpu.wait_indirect_dma semaphore(%run_scoped3A : memref<!tpu.dma_semaphore, #tpu.memory_space<semaphore_mem>>) src(%arg9 : memref<128x128xf32, #tpu.memory_space<vmem>>) dst(%dma_wait3A_108 : memref<10016x128xf32, #tpu.memory_space<vmem_shared>>)
        tpu.yield
      }) : () -> ()
      %add3A_76 = arith.constant 2 : i32
      %add3A_77 = arith.addi %add3A_70, %add3A_76 : i32
      %lt3A = arith.constant 40 : i32
      %lt3A_78 = arith.cmpi slt, %add3A_77, %lt3A : i32
      %convert_element_type3A_79 = arith.extui %lt3A_78 : i1 to i32
      %cond3A_80 = arith.constant 0 : i32
      %cond3A_81 = arith.cmpi ne, %convert_element_type3A_79, %cond3A_80 : i32
      scf.if %cond3A_81 {
        %add3A_97 = arith.constant 2 : i32
        %add3A_98 = arith.addi %add3A_70, %add3A_97 : i32
        %dma_start3A_99 = arith.constant 0 : i32
        %dma_start3A_100 = tpu.memref_slice %arg7[%add3A_98, %dma_start3A_99] : memref<40x128xi32, #tpu.memory_space<vmem>> -> memref<1x128xi32, #tpu.memory_space<vmem>>
        %dma_start3A_101 = tpu.memref_squeeze %dma_start3A_100 : memref<1x128xi32, #tpu.memory_space<vmem>> -> memref<128xi32, #tpu.memory_space<vmem>>
        %dma_start3A_102 = arith.constant 0 : i32
        %dma_start3A_103 = arith.constant 0 : i32
        %dma_start3A_104 = tpu.memref_slice %arg2[%dma_start3A_102, %dma_start3A_103] : memref<10000x128xf32, #tpu.memory_space<hbm>> -> memref<10000x128xf32, #tpu.memory_space<hbm>>
        tpu.enqueue_indirect_dma source(%dma_start3A_104 : memref<10000x128xf32, #tpu.memory_space<hbm>>) target(%arg9 : memref<128x128xf32, #tpu.memory_space<vmem>>) offsets(%dma_start3A_101 : memref<128xi32, #tpu.memory_space<vmem>>) semaphore(%arg12 : memref<!tpu.dma_semaphore, #tpu.memory_space<semaphore_mem>>)
      } else {
      }
      %add3A_82 = arith.constant 1 : i32
      %add3A_83 = arith.addi %mul3A_68, %add3A_82 : i32
      %dma_wait3A_84 = arith.constant 0 : i32
      %dma_wait3A_85 = arith.constant 0 : i32
      %dma_wait3A_86 = tpu.memref_slice %arg2[%dma_wait3A_84, %dma_wait3A_85] : memref<10000x128xf32, #tpu.memory_space<hbm>> -> memref<128x128xf32, #tpu.memory_space<hbm>>
      %dma_wait3A_87 = arith.constant 0 : i32
      %dma_wait3A_88 = arith.constant 0 : i32
      %dma_wait3A_89 = tpu.memref_slice %arg2[%dma_wait3A_87, %dma_wait3A_88] : memref<10000x128xf32, #tpu.memory_space<hbm>> -> memref<128x128xf32, #tpu.memory_space<hbm>>
      tpu.wait_dma2 semaphore(%arg13 : memref<!tpu.dma_semaphore, #tpu.memory_space<semaphore_mem>>) src(%dma_wait3A_89 : memref<128x128xf32, #tpu.memory_space<hbm>>) dst(%arg10 : memref<128x128xf32, #tpu.memory_space<vmem>>)
      "tpu.region"() ({
        %run_scoped3A = tpu.sem_alloc : memref<!tpu.dma_semaphore, #tpu.memory_space<semaphore_mem>>
        %dma_start3A_97 = arith.constant 0 : i32
        %dma_start3A_98 = tpu.memref_slice %arg8[%add3A_83, %dma_start3A_97] : memref<40x128xi32, #tpu.memory_space<vmem>> -> memref<1x128xi32, #tpu.memory_space<vmem>>
        %dma_start3A_99 = tpu.memref_squeeze %dma_start3A_98 : memref<1x128xi32, #tpu.memory_space<vmem>> -> memref<128xi32, #tpu.memory_space<vmem>>
        %dma_start3A_100 = arith.constant 0 : i32
        %dma_start3A_101 = arith.constant 0 : i32
        %dma_start3A_102 = tpu.memref_slice %arg11[%dma_start3A_100, %dma_start3A_101] : memref<10016x128xf32, #tpu.memory_space<vmem_shared>> -> memref<10016x128xf32, #tpu.memory_space<vmem_shared>>
        tpu.enqueue_indirect_dma source(%arg10 : memref<128x128xf32, #tpu.memory_space<vmem>>) target(%dma_start3A_102 : memref<10016x128xf32, #tpu.memory_space<vmem_shared>>) offsets(%dma_start3A_99 : memref<128xi32, #tpu.memory_space<vmem>>) semaphore(%run_scoped3A : memref<!tpu.dma_semaphore, #tpu.memory_space<semaphore_mem>>) {add = true}
        %dma_wait3A_103 = arith.constant 0 : i32
        %dma_wait3A_104 = tpu.memref_slice %arg8[%add3A_83, %dma_wait3A_103] : memref<40x128xi32, #tpu.memory_space<vmem>> -> memref<1x128xi32, #tpu.memory_space<vmem>>
        %dma_wait3A_105 = tpu.memref_squeeze %dma_wait3A_104 : memref<1x128xi32, #tpu.memory_space<vmem>> -> memref<128xi32, #tpu.memory_space<vmem>>
        %dma_wait3A_106 = arith.constant 0 : i32
        %dma_wait3A_107 = arith.constant 0 : i32
        %dma_wait3A_108 = tpu.memref_slice %arg11[%dma_wait3A_106, %dma_wait3A_107] : memref<10016x128xf32, #tpu.memory_space<vmem_shared>> -> memref<10016x128xf32, #tpu.memory_space<vmem_shared>>
        tpu.wait_indirect_dma semaphore(%run_scoped3A : memref<!tpu.dma_semaphore, #tpu.memory_space<semaphore_mem>>) src(%arg10 : memref<128x128xf32, #tpu.memory_space<vmem>>) dst(%dma_wait3A_108 : memref<10016x128xf32, #tpu.memory_space<vmem_shared>>)
        tpu.yield
      }) : () -> ()
      %add3A_90 = arith.constant 2 : i32
      %add3A_91 = arith.addi %add3A_83, %add3A_90 : i32
      %lt3A_92 = arith.constant 40 : i32
      %lt3A_93 = arith.cmpi slt, %add3A_91, %lt3A_92 : i32
      %convert_element_type3A_94 = arith.extui %lt3A_93 : i1 to i32
      %cond3A_95 = arith.constant 0 : i32
      %cond3A_96 = arith.cmpi ne, %convert_element_type3A_94, %cond3A_95 : i32
      scf.if %cond3A_96 {
        %add3A_97 = arith.constant 2 : i32
        %add3A_98 = arith.addi %add3A_83, %add3A_97 : i32
        %dma_start3A_99 = arith.constant 0 : i32
        %dma_start3A_100 = tpu.memref_slice %arg7[%add3A_98, %dma_start3A_99] : memref<40x128xi32, #tpu.memory_space<vmem>> -> memref<1x128xi32, #tpu.memory_space<vmem>>
        %dma_start3A_101 = tpu.memref_squeeze %dma_start3A_100 : memref<1x128xi32, #tpu.memory_space<vmem>> -> memref<128xi32, #tpu.memory_space<vmem>>
        %dma_start3A_102 = arith.constant 0 : i32
        %dma_start3A_103 = arith.constant 0 : i32
        %dma_start3A_104 = tpu.memref_slice %arg2[%dma_start3A_102, %dma_start3A_103] : memref<10000x128xf32, #tpu.memory_space<hbm>> -> memref<10000x128xf32, #tpu.memory_space<hbm>>
        tpu.enqueue_indirect_dma source(%dma_start3A_104 : memref<10000x128xf32, #tpu.memory_space<hbm>>) target(%arg10 : memref<128x128xf32, #tpu.memory_space<vmem>>) offsets(%dma_start3A_101 : memref<128xi32, #tpu.memory_space<vmem>>) semaphore(%arg13 : memref<!tpu.dma_semaphore, #tpu.memory_space<semaphore_mem>>)
      } else {
      }
    }
    %scan3A_37 = arith.constant 20 : i32
    "tpu.region"() ({
      %run_scoped3A = tpu.sem_alloc : memref<!tpu.dma_semaphore, #tpu.memory_space<semaphore_mem>>
      %dma_start3A_66 = arith.constant 40 : i32
      %dma_start3A_67 = arith.constant 0 : i32
      %dma_start3A_68 = tpu.memref_slice %arg3[%add3A, %dma_start3A_66, %dma_start3A_67] : memref<32x80x128xi32, #tpu.memory_space<hbm>> -> memref<1x40x128xi32, #tpu.memory_space<hbm>>
      %dma_start3A_69 = tpu.memref_squeeze %dma_start3A_68 : memref<1x40x128xi32, #tpu.memory_space<hbm>> -> memref<40x128xi32, #tpu.memory_space<hbm>>
      %dma_start3A_70 = arith.constant 40 : i32
      %dma_start3A_71 = arith.constant 0 : i32
      %dma_start3A_72 = tpu.memref_slice %arg3[%add3A, %dma_start3A_70, %dma_start3A_71] : memref<32x80x128xi32, #tpu.memory_space<hbm>> -> memref<1x40x128xi32, #tpu.memory_space<hbm>>
      %dma_start3A_73 = tpu.memref_squeeze %dma_start3A_72 : memref<1x40x128xi32, #tpu.memory_space<hbm>> -> memref<40x128xi32, #tpu.memory_space<hbm>>
      tpu.enqueue_dma source(%dma_start3A_73 : memref<40x128xi32, #tpu.memory_space<hbm>>) target(%arg7 : memref<40x128xi32, #tpu.memory_space<vmem>>) target_semaphore(%run_scoped3A : memref<!tpu.dma_semaphore, #tpu.memory_space<semaphore_mem>>)
      %dma_wait3A = arith.constant 40 : i32
      %dma_wait3A_74 = arith.constant 0 : i32
      %dma_wait3A_75 = tpu.memref_slice %arg3[%add3A, %dma_wait3A, %dma_wait3A_74] : memref<32x80x128xi32, #tpu.memory_space<hbm>> -> memref<1x40x128xi32, #tpu.memory_space<hbm>>
      %dma_wait3A_76 = tpu.memref_squeeze %dma_wait3A_75 : memref<1x40x128xi32, #tpu.memory_space<hbm>> -> memref<40x128xi32, #tpu.memory_space<hbm>>
      %dma_wait3A_77 = arith.constant 40 : i32
      %dma_wait3A_78 = arith.constant 0 : i32
      %dma_wait3A_79 = tpu.memref_slice %arg3[%add3A, %dma_wait3A_77, %dma_wait3A_78] : memref<32x80x128xi32, #tpu.memory_space<hbm>> -> memref<1x40x128xi32, #tpu.memory_space<hbm>>
      %dma_wait3A_80 = tpu.memref_squeeze %dma_wait3A_79 : memref<1x40x128xi32, #tpu.memory_space<hbm>> -> memref<40x128xi32, #tpu.memory_space<hbm>>
      tpu.wait_dma2 semaphore(%run_scoped3A : memref<!tpu.dma_semaphore, #tpu.memory_space<semaphore_mem>>) src(%dma_wait3A_80 : memref<40x128xi32, #tpu.memory_space<hbm>>) dst(%arg7 : memref<40x128xi32, #tpu.memory_space<vmem>>)
      tpu.yield
    }) : () -> ()
    "tpu.region"() ({
      %run_scoped3A = tpu.sem_alloc : memref<!tpu.dma_semaphore, #tpu.memory_space<semaphore_mem>>
      %dma_start3A_66 = arith.constant 40 : i32
      %dma_start3A_67 = arith.constant 0 : i32
      %dma_start3A_68 = tpu.memref_slice %arg4[%add3A, %dma_start3A_66, %dma_start3A_67] : memref<32x80x128xi32, #tpu.memory_space<hbm>> -> memref<1x40x128xi32, #tpu.memory_space<hbm>>
      %dma_start3A_69 = tpu.memref_squeeze %dma_start3A_68 : memref<1x40x128xi32, #tpu.memory_space<hbm>> -> memref<40x128xi32, #tpu.memory_space<hbm>>
      %dma_start3A_70 = arith.constant 40 : i32
      %dma_start3A_71 = arith.constant 0 : i32
      %dma_start3A_72 = tpu.memref_slice %arg4[%add3A, %dma_start3A_70, %dma_start3A_71] : memref<32x80x128xi32, #tpu.memory_space<hbm>> -> memref<1x40x128xi32, #tpu.memory_space<hbm>>
      %dma_start3A_73 = tpu.memref_squeeze %dma_start3A_72 : memref<1x40x128xi32, #tpu.memory_space<hbm>> -> memref<40x128xi32, #tpu.memory_space<hbm>>
      tpu.enqueue_dma source(%dma_start3A_73 : memref<40x128xi32, #tpu.memory_space<hbm>>) target(%arg8 : memref<40x128xi32, #tpu.memory_space<vmem>>) target_semaphore(%run_scoped3A : memref<!tpu.dma_semaphore, #tpu.memory_space<semaphore_mem>>)
      %dma_wait3A = arith.constant 40 : i32
      %dma_wait3A_74 = arith.constant 0 : i32
      %dma_wait3A_75 = tpu.memref_slice %arg4[%add3A, %dma_wait3A, %dma_wait3A_74] : memref<32x80x128xi32, #tpu.memory_space<hbm>> -> memref<1x40x128xi32, #tpu.memory_space<hbm>>
      %dma_wait3A_76 = tpu.memref_squeeze %dma_wait3A_75 : memref<1x40x128xi32, #tpu.memory_space<hbm>> -> memref<40x128xi32, #tpu.memory_space<hbm>>
      %dma_wait3A_77 = arith.constant 40 : i32
      %dma_wait3A_78 = arith.constant 0 : i32
      %dma_wait3A_79 = tpu.memref_slice %arg4[%add3A, %dma_wait3A_77, %dma_wait3A_78] : memref<32x80x128xi32, #tpu.memory_space<hbm>> -> memref<1x40x128xi32, #tpu.memory_space<hbm>>
      %dma_wait3A_80 = tpu.memref_squeeze %dma_wait3A_79 : memref<1x40x128xi32, #tpu.memory_space<hbm>> -> memref<40x128xi32, #tpu.memory_space<hbm>>
      tpu.wait_dma2 semaphore(%run_scoped3A : memref<!tpu.dma_semaphore, #tpu.memory_space<semaphore_mem>>) src(%dma_wait3A_80 : memref<40x128xi32, #tpu.memory_space<hbm>>) dst(%arg8 : memref<40x128xi32, #tpu.memory_space<vmem>>)
      tpu.yield
    }) : () -> ()
    %dma_start3A_38 = arith.constant 0 : i32
    %dma_start3A_39 = arith.constant 0 : i32
    %dma_start3A_40 = tpu.memref_slice %arg7[%dma_start3A_38, %dma_start3A_39] : memref<40x128xi32, #tpu.memory_space<vmem>> -> memref<1x128xi32, #tpu.memory_space<vmem>>
    %dma_start3A_41 = tpu.memref_squeeze %dma_start3A_40 : memref<1x128xi32, #tpu.memory_space<vmem>> -> memref<128xi32, #tpu.memory_space<vmem>>
    %dma_start3A_42 = arith.constant 0 : i32
    %dma_start3A_43 = arith.constant 0 : i32
    %dma_start3A_44 = tpu.memref_slice %arg2[%dma_start3A_42, %dma_start3A_43] : memref<10000x128xf32, #tpu.memory_space<hbm>> -> memref<10000x128xf32, #tpu.memory_space<hbm>>
    tpu.enqueue_indirect_dma source(%dma_start3A_44 : memref<10000x128xf32, #tpu.memory_space<hbm>>) target(%arg9 : memref<128x128xf32, #tpu.memory_space<vmem>>) offsets(%dma_start3A_41 : memref<128xi32, #tpu.memory_space<vmem>>) semaphore(%arg12 : memref<!tpu.dma_semaphore, #tpu.memory_space<semaphore_mem>>)
    %dma_start3A_45 = arith.constant 1 : i32
    %dma_start3A_46 = arith.constant 0 : i32
    %dma_start3A_47 = tpu.memref_slice %arg7[%dma_start3A_45, %dma_start3A_46] : memref<40x128xi32, #tpu.memory_space<vmem>> -> memref<1x128xi32, #tpu.memory_space<vmem>>
    %dma_start3A_48 = tpu.memref_squeeze %dma_start3A_47 : memref<1x128xi32, #tpu.memory_space<vmem>> -> memref<128xi32, #tpu.memory_space<vmem>>
    %dma_start3A_49 = arith.constant 0 : i32
    %dma_start3A_50 = arith.constant 0 : i32
    %dma_start3A_51 = tpu.memref_slice %arg2[%dma_start3A_49, %dma_start3A_50] : memref<10000x128xf32, #tpu.memory_space<hbm>> -> memref<10000x128xf32, #tpu.memory_space<hbm>>
    tpu.enqueue_indirect_dma source(%dma_start3A_51 : memref<10000x128xf32, #tpu.memory_space<hbm>>) target(%arg10 : memref<128x128xf32, #tpu.memory_space<vmem>>) offsets(%dma_start3A_48 : memref<128xi32, #tpu.memory_space<vmem>>) semaphore(%arg13 : memref<!tpu.dma_semaphore, #tpu.memory_space<semaphore_mem>>)
    %scan3A_52 = arith.constant 0 : i32
    %scan3A_53 = arith.constant 0 : i32
    %scan3A_54 = arith.constant 20 : i32
    %scan3A_55 = arith.addi %scan3A_53, %scan3A_54 : i32
    %scan3A_56 = arith.constant 1 : i32
    scf.for %scan3A_66 = %scan3A_53 to %scan3A_55 step %scan3A_56  : i32 {
      %mul3A_67 = arith.constant 2 : i32
      %mul3A_68 = arith.muli %scan3A_66, %mul3A_67 : i32
      %add3A_69 = arith.constant 0 : i32
      %add3A_70 = arith.addi %mul3A_68, %add3A_69 : i32
      %dma_wait3A = arith.constant 0 : i32
      %dma_wait3A_71 = arith.constant 0 : i32
      %dma_wait3A_72 = tpu.memref_slice %arg2[%dma_wait3A, %dma_wait3A_71] : memref<10000x128xf32, #tpu.memory_space<hbm>> -> memref<128x128xf32, #tpu.memory_space<hbm>>
      %dma_wait3A_73 = arith.constant 0 : i32
      %dma_wait3A_74 = arith.constant 0 : i32
      %dma_wait3A_75 = tpu.memref_slice %arg2[%dma_wait3A_73, %dma_wait3A_74] : memref<10000x128xf32, #tpu.memory_space<hbm>> -> memref<128x128xf32, #tpu.memory_space<hbm>>
      tpu.wait_dma2 semaphore(%arg12 : memref<!tpu.dma_semaphore, #tpu.memory_space<semaphore_mem>>) src(%dma_wait3A_75 : memref<128x128xf32, #tpu.memory_space<hbm>>) dst(%arg9 : memref<128x128xf32, #tpu.memory_space<vmem>>)
      "tpu.region"() ({
        %run_scoped3A = tpu.sem_alloc : memref<!tpu.dma_semaphore, #tpu.memory_space<semaphore_mem>>
        %dma_start3A_97 = arith.constant 0 : i32
        %dma_start3A_98 = tpu.memref_slice %arg8[%add3A_70, %dma_start3A_97] : memref<40x128xi32, #tpu.memory_space<vmem>> -> memref<1x128xi32, #tpu.memory_space<vmem>>
        %dma_start3A_99 = tpu.memref_squeeze %dma_start3A_98 : memref<1x128xi32, #tpu.memory_space<vmem>> -> memref<128xi32, #tpu.memory_space<vmem>>
        %dma_start3A_100 = arith.constant 0 : i32
        %dma_start3A_101 = arith.constant 0 : i32
        %dma_start3A_102 = tpu.memref_slice %arg11[%dma_start3A_100, %dma_start3A_101] : memref<10016x128xf32, #tpu.memory_space<vmem_shared>> -> memref<10016x128xf32, #tpu.memory_space<vmem_shared>>
        tpu.enqueue_indirect_dma source(%arg9 : memref<128x128xf32, #tpu.memory_space<vmem>>) target(%dma_start3A_102 : memref<10016x128xf32, #tpu.memory_space<vmem_shared>>) offsets(%dma_start3A_99 : memref<128xi32, #tpu.memory_space<vmem>>) semaphore(%run_scoped3A : memref<!tpu.dma_semaphore, #tpu.memory_space<semaphore_mem>>) {add = true}
        %dma_wait3A_103 = arith.constant 0 : i32
        %dma_wait3A_104 = tpu.memref_slice %arg8[%add3A_70, %dma_wait3A_103] : memref<40x128xi32, #tpu.memory_space<vmem>> -> memref<1x128xi32, #tpu.memory_space<vmem>>
        %dma_wait3A_105 = tpu.memref_squeeze %dma_wait3A_104 : memref<1x128xi32, #tpu.memory_space<vmem>> -> memref<128xi32, #tpu.memory_space<vmem>>
        %dma_wait3A_106 = arith.constant 0 : i32
        %dma_wait3A_107 = arith.constant 0 : i32
        %dma_wait3A_108 = tpu.memref_slice %arg11[%dma_wait3A_106, %dma_wait3A_107] : memref<10016x128xf32, #tpu.memory_space<vmem_shared>> -> memref<10016x128xf32, #tpu.memory_space<vmem_shared>>
        tpu.wait_indirect_dma semaphore(%run_scoped3A : memref<!tpu.dma_semaphore, #tpu.memory_space<semaphore_mem>>) src(%arg9 : memref<128x128xf32, #tpu.memory_space<vmem>>) dst(%dma_wait3A_108 : memref<10016x128xf32, #tpu.memory_space<vmem_shared>>)
        tpu.yield
      }) : () -> ()
      %add3A_76 = arith.constant 2 : i32
      %add3A_77 = arith.addi %add3A_70, %add3A_76 : i32
      %lt3A = arith.constant 40 : i32
      %lt3A_78 = arith.cmpi slt, %add3A_77, %lt3A : i32
      %convert_element_type3A_79 = arith.extui %lt3A_78 : i1 to i32
      %cond3A_80 = arith.constant 0 : i32
      %cond3A_81 = arith.cmpi ne, %convert_element_type3A_79, %cond3A_80 : i32
      scf.if %cond3A_81 {
        %add3A_97 = arith.constant 2 : i32
        %add3A_98 = arith.addi %add3A_70, %add3A_97 : i32
        %dma_start3A_99 = arith.constant 0 : i32
        %dma_start3A_100 = tpu.memref_slice %arg7[%add3A_98, %dma_start3A_99] : memref<40x128xi32, #tpu.memory_space<vmem>> -> memref<1x128xi32, #tpu.memory_space<vmem>>
        %dma_start3A_101 = tpu.memref_squeeze %dma_start3A_100 : memref<1x128xi32, #tpu.memory_space<vmem>> -> memref<128xi32, #tpu.memory_space<vmem>>
        %dma_start3A_102 = arith.constant 0 : i32
        %dma_start3A_103 = arith.constant 0 : i32
        %dma_start3A_104 = tpu.memref_slice %arg2[%dma_start3A_102, %dma_start3A_103] : memref<10000x128xf32, #tpu.memory_space<hbm>> -> memref<10000x128xf32, #tpu.memory_space<hbm>>
        tpu.enqueue_indirect_dma source(%dma_start3A_104 : memref<10000x128xf32, #tpu.memory_space<hbm>>) target(%arg9 : memref<128x128xf32, #tpu.memory_space<vmem>>) offsets(%dma_start3A_101 : memref<128xi32, #tpu.memory_space<vmem>>) semaphore(%arg12 : memref<!tpu.dma_semaphore, #tpu.memory_space<semaphore_mem>>)
      } else {
      }
      %add3A_82 = arith.constant 1 : i32
      %add3A_83 = arith.addi %mul3A_68, %add3A_82 : i32
      %dma_wait3A_84 = arith.constant 0 : i32
      %dma_wait3A_85 = arith.constant 0 : i32
      %dma_wait3A_86 = tpu.memref_slice %arg2[%dma_wait3A_84, %dma_wait3A_85] : memref<10000x128xf32, #tpu.memory_space<hbm>> -> memref<128x128xf32, #tpu.memory_space<hbm>>
      %dma_wait3A_87 = arith.constant 0 : i32
      %dma_wait3A_88 = arith.constant 0 : i32
      %dma_wait3A_89 = tpu.memref_slice %arg2[%dma_wait3A_87, %dma_wait3A_88] : memref<10000x128xf32, #tpu.memory_space<hbm>> -> memref<128x128xf32, #tpu.memory_space<hbm>>
      tpu.wait_dma2 semaphore(%arg13 : memref<!tpu.dma_semaphore, #tpu.memory_space<semaphore_mem>>) src(%dma_wait3A_89 : memref<128x128xf32, #tpu.memory_space<hbm>>) dst(%arg10 : memref<128x128xf32, #tpu.memory_space<vmem>>)
      "tpu.region"() ({
        %run_scoped3A = tpu.sem_alloc : memref<!tpu.dma_semaphore, #tpu.memory_space<semaphore_mem>>
        %dma_start3A_97 = arith.constant 0 : i32
        %dma_start3A_98 = tpu.memref_slice %arg8[%add3A_83, %dma_start3A_97] : memref<40x128xi32, #tpu.memory_space<vmem>> -> memref<1x128xi32, #tpu.memory_space<vmem>>
        %dma_start3A_99 = tpu.memref_squeeze %dma_start3A_98 : memref<1x128xi32, #tpu.memory_space<vmem>> -> memref<128xi32, #tpu.memory_space<vmem>>
        %dma_start3A_100 = arith.constant 0 : i32
        %dma_start3A_101 = arith.constant 0 : i32
        %dma_start3A_102 = tpu.memref_slice %arg11[%dma_start3A_100, %dma_start3A_101] : memref<10016x128xf32, #tpu.memory_space<vmem_shared>> -> memref<10016x128xf32, #tpu.memory_space<vmem_shared>>
        tpu.enqueue_indirect_dma source(%arg10 : memref<128x128xf32, #tpu.memory_space<vmem>>) target(%dma_start3A_102 : memref<10016x128xf32, #tpu.memory_space<vmem_shared>>) offsets(%dma_start3A_99 : memref<128xi32, #tpu.memory_space<vmem>>) semaphore(%run_scoped3A : memref<!tpu.dma_semaphore, #tpu.memory_space<semaphore_mem>>) {add = true}
        %dma_wait3A_103 = arith.constant 0 : i32
        %dma_wait3A_104 = tpu.memref_slice %arg8[%add3A_83, %dma_wait3A_103] : memref<40x128xi32, #tpu.memory_space<vmem>> -> memref<1x128xi32, #tpu.memory_space<vmem>>
        %dma_wait3A_105 = tpu.memref_squeeze %dma_wait3A_104 : memref<1x128xi32, #tpu.memory_space<vmem>> -> memref<128xi32, #tpu.memory_space<vmem>>
        %dma_wait3A_106 = arith.constant 0 : i32
        %dma_wait3A_107 = arith.constant 0 : i32
        %dma_wait3A_108 = tpu.memref_slice %arg11[%dma_wait3A_106, %dma_wait3A_107] : memref<10016x128xf32, #tpu.memory_space<vmem_shared>> -> memref<10016x128xf32, #tpu.memory_space<vmem_shared>>
        tpu.wait_indirect_dma semaphore(%run_scoped3A : memref<!tpu.dma_semaphore, #tpu.memory_space<semaphore_mem>>) src(%arg10 : memref<128x128xf32, #tpu.memory_space<vmem>>) dst(%dma_wait3A_108 : memref<10016x128xf32, #tpu.memory_space<vmem_shared>>)
        tpu.yield
      }) : () -> ()
      %add3A_90 = arith.constant 2 : i32
      %add3A_91 = arith.addi %add3A_83, %add3A_90 : i32
      %lt3A_92 = arith.constant 40 : i32
      %lt3A_93 = arith.cmpi slt, %add3A_91, %lt3A_92 : i32
      %convert_element_type3A_94 = arith.extui %lt3A_93 : i1 to i32
      %cond3A_95 = arith.constant 0 : i32
      %cond3A_96 = arith.cmpi ne, %convert_element_type3A_94, %cond3A_95 : i32
      scf.if %cond3A_96 {
        %add3A_97 = arith.constant 2 : i32
        %add3A_98 = arith.addi %add3A_83, %add3A_97 : i32
        %dma_start3A_99 = arith.constant 0 : i32
        %dma_start3A_100 = tpu.memref_slice %arg7[%add3A_98, %dma_start3A_99] : memref<40x128xi32, #tpu.memory_space<vmem>> -> memref<1x128xi32, #tpu.memory_space<vmem>>
        %dma_start3A_101 = tpu.memref_squeeze %dma_start3A_100 : memref<1x128xi32, #tpu.memory_space<vmem>> -> memref<128xi32, #tpu.memory_space<vmem>>
        %dma_start3A_102 = arith.constant 0 : i32
        %dma_start3A_103 = arith.constant 0 : i32
        %dma_start3A_104 = tpu.memref_slice %arg2[%dma_start3A_102, %dma_start3A_103] : memref<10000x128xf32, #tpu.memory_space<hbm>> -> memref<10000x128xf32, #tpu.memory_space<hbm>>
        tpu.enqueue_indirect_dma source(%dma_start3A_104 : memref<10000x128xf32, #tpu.memory_space<hbm>>) target(%arg10 : memref<128x128xf32, #tpu.memory_space<vmem>>) offsets(%dma_start3A_101 : memref<128xi32, #tpu.memory_space<vmem>>) semaphore(%arg13 : memref<!tpu.dma_semaphore, #tpu.memory_space<semaphore_mem>>)
      } else {
      }
    }
    %scan3A_57 = arith.constant 20 : i32
    %barrier3A_58 = arith.constant 0 : index
    tpu.barrier barrier_id(%barrier3A_58)
    %eq3A = arith.constant 0 : i32
    %eq3A_59 = arith.cmpi eq, %arg0, %eq3A : i32
    %convert_element_type3A = arith.extui %eq3A_59 : i1 to i32
    %cond3A = arith.constant 0 : i32
    %cond3A_60 = arith.cmpi ne, %convert_element_type3A, %cond3A : i32
    scf.if %cond3A_60 {
      %mul3A_66 = arith.constant 624 : i32
      %mul3A_67 = arith.muli %arg1, %mul3A_66 : i32
      %mul3A_68 = arith.constant 624 : i32
      %mul3A_69 = arith.muli %arg1, %mul3A_68 : i32
      "tpu.region"() ({
        %run_scoped3A = tpu.sem_alloc : memref<!tpu.dma_semaphore, #tpu.memory_space<semaphore_mem>>
        %dma_start3A_75 = arith.constant 0 : i32
        %dma_start3A_76 = tpu.memref_slice %arg5[%mul3A_69, %dma_start3A_75] : memref<10000x128xf32, #tpu.memory_space<hbm>> -> memref<624x128xf32, #tpu.memory_space<hbm>>
        %dma_start3A_77 = arith.constant 0 : i32
        %dma_start3A_78 = tpu.memref_slice %arg11[%mul3A_67, %dma_start3A_77] : memref<10016x128xf32, #tpu.memory_space<vmem_shared>> -> memref<624x128xf32, #tpu.memory_space<vmem_shared>>
        tpu.enqueue_dma source(%dma_start3A_78 : memref<624x128xf32, #tpu.memory_space<vmem_shared>>) target(%dma_start3A_76 : memref<624x128xf32, #tpu.memory_space<hbm>>) target_semaphore(%run_scoped3A : memref<!tpu.dma_semaphore, #tpu.memory_space<semaphore_mem>>)
        %dma_wait3A = arith.constant 0 : i32
        %dma_wait3A_79 = tpu.memref_slice %arg5[%mul3A_69, %dma_wait3A] : memref<10000x128xf32, #tpu.memory_space<hbm>> -> memref<624x128xf32, #tpu.memory_space<hbm>>
        %dma_wait3A_80 = arith.constant 0 : i32
        %dma_wait3A_81 = tpu.memref_slice %arg11[%mul3A_67, %dma_wait3A_80] : memref<10016x128xf32, #tpu.memory_space<vmem_shared>> -> memref<624x128xf32, #tpu.memory_space<vmem_shared>>
        tpu.wait_dma2 semaphore(%run_scoped3A : memref<!tpu.dma_semaphore, #tpu.memory_space<semaphore_mem>>) src(%dma_wait3A_81 : memref<624x128xf32, #tpu.memory_space<vmem_shared>>) dst(%dma_wait3A_79 : memref<624x128xf32, #tpu.memory_space<hbm>>)
        tpu.yield
      }) : () -> ()
      %eq3A_70 = arith.constant 0 : i32
      %eq3A_71 = arith.cmpi eq, %arg1, %eq3A_70 : i32
      %convert_element_type3A_72 = arith.extui %eq3A_71 : i1 to i32
      %cond3A_73 = arith.constant 0 : i32
      %cond3A_74 = arith.cmpi ne, %convert_element_type3A_72, %cond3A_73 : i32
      scf.if %cond3A_74 {
        "tpu.region"() ({
          %run_scoped3A = tpu.sem_alloc : memref<!tpu.dma_semaphore, #tpu.memory_space<semaphore_mem>>
          %dma_start3A_75 = arith.constant 9984 : i32
          %dma_start3A_76 = arith.constant 0 : i32
          %dma_start3A_77 = tpu.memref_slice %arg5[%dma_start3A_75, %dma_start3A_76] : memref<10000x128xf32, #tpu.memory_space<hbm>> -> memref<16x128xf32, #tpu.memory_space<hbm>>
          %dma_start3A_78 = arith.constant 9984 : i32
          %dma_start3A_79 = arith.constant 0 : i32
          %dma_start3A_80 = tpu.memref_slice %arg11[%dma_start3A_78, %dma_start3A_79] : memref<10016x128xf32, #tpu.memory_space<vmem_shared>> -> memref<16x128xf32, #tpu.memory_space<vmem_shared>>
          tpu.enqueue_dma source(%dma_start3A_80 : memref<16x128xf32, #tpu.memory_space<vmem_shared>>) target(%dma_start3A_77 : memref<16x128xf32, #tpu.memory_space<hbm>>) target_semaphore(%run_scoped3A : memref<!tpu.dma_semaphore, #tpu.memory_space<semaphore_mem>>)
          %dma_wait3A = arith.constant 9984 : i32
          %dma_wait3A_81 = arith.constant 0 : i32
          %dma_wait3A_82 = tpu.memref_slice %arg5[%dma_wait3A, %dma_wait3A_81] : memref<10000x128xf32, #tpu.memory_space<hbm>> -> memref<16x128xf32, #tpu.memory_space<hbm>>
          %dma_wait3A_83 = arith.constant 9984 : i32
          %dma_wait3A_84 = arith.constant 0 : i32
          %dma_wait3A_85 = tpu.memref_slice %arg11[%dma_wait3A_83, %dma_wait3A_84] : memref<10016x128xf32, #tpu.memory_space<vmem_shared>> -> memref<16x128xf32, #tpu.memory_space<vmem_shared>>
          tpu.wait_dma2 semaphore(%run_scoped3A : memref<!tpu.dma_semaphore, #tpu.memory_space<semaphore_mem>>) src(%dma_wait3A_85 : memref<16x128xf32, #tpu.memory_space<vmem_shared>>) dst(%dma_wait3A_82 : memref<16x128xf32, #tpu.memory_space<hbm>>)
          tpu.yield
        }) : () -> ()
      } else {
      }
    } else {
    }
    %eq3A_61 = arith.constant 1 : i32
    %eq3A_62 = arith.cmpi eq, %arg0, %eq3A_61 : i32
    %convert_element_type3A_63 = arith.extui %eq3A_62 : i1 to i32
    %cond3A_64 = arith.constant 0 : i32
    %cond3A_65 = arith.cmpi ne, %convert_element_type3A_63, %cond3A_64 : i32
    scf.if %cond3A_65 {
      %mul3A_66 = arith.constant 624 : i32
      %mul3A_67 = arith.muli %arg1, %mul3A_66 : i32
      %mul3A_68 = arith.constant 624 : i32
      %mul3A_69 = arith.muli %arg1, %mul3A_68 : i32
      "tpu.region"() ({
        %run_scoped3A = tpu.sem_alloc : memref<!tpu.dma_semaphore, #tpu.memory_space<semaphore_mem>>
        %dma_start3A_75 = arith.constant 0 : i32
        %dma_start3A_76 = tpu.memref_slice %arg6[%mul3A_69, %dma_start3A_75] : memref<10000x128xf32, #tpu.memory_space<hbm>> -> memref<624x128xf32, #tpu.memory_space<hbm>>
        %dma_start3A_77 = arith.constant 0 : i32
        %dma_start3A_78 = tpu.memref_slice %arg11[%mul3A_67, %dma_start3A_77] : memref<10016x128xf32, #tpu.memory_space<vmem_shared>> -> memref<624x128xf32, #tpu.memory_space<vmem_shared>>
        tpu.enqueue_dma source(%dma_start3A_78 : memref<624x128xf32, #tpu.memory_space<vmem_shared>>) target(%dma_start3A_76 : memref<624x128xf32, #tpu.memory_space<hbm>>) target_semaphore(%run_scoped3A : memref<!tpu.dma_semaphore, #tpu.memory_space<semaphore_mem>>)
        %dma_wait3A = arith.constant 0 : i32
        %dma_wait3A_79 = tpu.memref_slice %arg6[%mul3A_69, %dma_wait3A] : memref<10000x128xf32, #tpu.memory_space<hbm>> -> memref<624x128xf32, #tpu.memory_space<hbm>>
        %dma_wait3A_80 = arith.constant 0 : i32
        %dma_wait3A_81 = tpu.memref_slice %arg11[%mul3A_67, %dma_wait3A_80] : memref<10016x128xf32, #tpu.memory_space<vmem_shared>> -> memref<624x128xf32, #tpu.memory_space<vmem_shared>>
        tpu.wait_dma2 semaphore(%run_scoped3A : memref<!tpu.dma_semaphore, #tpu.memory_space<semaphore_mem>>) src(%dma_wait3A_81 : memref<624x128xf32, #tpu.memory_space<vmem_shared>>) dst(%dma_wait3A_79 : memref<624x128xf32, #tpu.memory_space<hbm>>)
        tpu.yield
      }) : () -> ()
      %eq3A_70 = arith.constant 0 : i32
      %eq3A_71 = arith.cmpi eq, %arg1, %eq3A_70 : i32
      %convert_element_type3A_72 = arith.extui %eq3A_71 : i1 to i32
      %cond3A_73 = arith.constant 0 : i32
      %cond3A_74 = arith.cmpi ne, %convert_element_type3A_72, %cond3A_73 : i32
      scf.if %cond3A_74 {
        "tpu.region"() ({
          %run_scoped3A = tpu.sem_alloc : memref<!tpu.dma_semaphore, #tpu.memory_space<semaphore_mem>>
          %dma_start3A_75 = arith.constant 9984 : i32
          %dma_start3A_76 = arith.constant 0 : i32
          %dma_start3A_77 = tpu.memref_slice %arg6[%dma_start3A_75, %dma_start3A_76] : memref<10000x128xf32, #tpu.memory_space<hbm>> -> memref<16x128xf32, #tpu.memory_space<hbm>>
          %dma_start3A_78 = arith.constant 9984 : i32
          %dma_start3A_79 = arith.constant 0 : i32
          %dma_start3A_80 = tpu.memref_slice %arg11[%dma_start3A_78, %dma_start3A_79] : memref<10016x128xf32, #tpu.memory_space<vmem_shared>> -> memref<16x128xf32, #tpu.memory_space<vmem_shared>>
          tpu.enqueue_dma source(%dma_start3A_80 : memref<16x128xf32, #tpu.memory_space<vmem_shared>>) target(%dma_start3A_77 : memref<16x128xf32, #tpu.memory_space<hbm>>) target_semaphore(%run_scoped3A : memref<!tpu.dma_semaphore, #tpu.memory_space<semaphore_mem>>)
          %dma_wait3A = arith.constant 9984 : i32
          %dma_wait3A_81 = arith.constant 0 : i32
          %dma_wait3A_82 = tpu.memref_slice %arg6[%dma_wait3A, %dma_wait3A_81] : memref<10000x128xf32, #tpu.memory_space<hbm>> -> memref<16x128xf32, #tpu.memory_space<hbm>>
          %dma_wait3A_83 = arith.constant 9984 : i32
          %dma_wait3A_84 = arith.constant 0 : i32
          %dma_wait3A_85 = tpu.memref_slice %arg11[%dma_wait3A_83, %dma_wait3A_84] : memref<10016x128xf32, #tpu.memory_space<vmem_shared>> -> memref<16x128xf32, #tpu.memory_space<vmem_shared>>
          tpu.wait_dma2 semaphore(%run_scoped3A : memref<!tpu.dma_semaphore, #tpu.memory_space<semaphore_mem>>) src(%dma_wait3A_85 : memref<16x128xf32, #tpu.memory_space<vmem_shared>>) dst(%dma_wait3A_82 : memref<16x128xf32, #tpu.memory_space<hbm>>)
          tpu.yield
        }) : () -> ()
      } else {
      }
    } else {
    }
    return
  }
}

module attributes {stable_mosaic.version = 14 : i64} {
  func.func @_add_body(%arg0: i32, %arg1: memref<2000x128xf32, #tpu.memory_space<vmem>>, %arg2: memref<2000x128xf32, #tpu.memory_space<vmem>>, %arg3: memref<2000x128xf32, #tpu.memory_space<vmem>>) attributes {dimension_semantics = [#tpu.dimension_semantics<arbitrary>], iteration_bounds = array<i64: 5>, scalar_prefetch = 0 : i64, scratch_operands = 0 : i64, tpu.core_type = #tpu.core_type<tc>, window_params = [{transform_indices = @transform_0, window_bounds = array<i64: 2000, 128>}, {transform_indices = @transform_1, window_bounds = array<i64: 2000, 128>}, {transform_indices = @transform_2, window_bounds = array<i64: 2000, 128>}]} {
    %get3A = arith.constant 0 : index
    %get3A_0 = arith.constant 0 : index
    %get3A_1 = vector.load %arg1[%get3A, %get3A_0] : memref<2000x128xf32, #tpu.memory_space<vmem>>, vector<2000x128xf32>
    %get3A_2 = arith.constant 0 : index
    %get3A_3 = arith.constant 0 : index
    %get3A_4 = vector.load %arg2[%get3A_2, %get3A_3] : memref<2000x128xf32, #tpu.memory_space<vmem>>, vector<2000x128xf32>
    %add3A = arith.addf %get3A_1, %get3A_4 : vector<2000x128xf32>
    %swap3A = arith.constant 0 : index
    %swap3A_5 = arith.constant 0 : index
    %swap3A_6 = vector.load %arg3[%swap3A, %swap3A_5] : memref<2000x128xf32, #tpu.memory_space<vmem>>, vector<2000x128xf32>
    tpu.vector_store %arg3[%swap3A, %swap3A_5], %add3A {strides = array<i32>} : memref<2000x128xf32, #tpu.memory_space<vmem>>, vector<2000x128xf32>,
    return
  }
  func.func @transform_0(%arg0: i32) -> (i32, i32) {
    %c0_i32 = arith.constant 0 : i32
    %c0_i32_0 = arith.constant 0 : i32
    return %arg0, %c0_i32 : i32, i32
  }
  func.func @transform_1(%arg0: i32) -> (i32, i32) {
    %c0_i32 = arith.constant 0 : i32
    %c0_i32_0 = arith.constant 0 : i32
    return %arg0, %c0_i32 : i32, i32
  }
  func.func @transform_2(%arg0: i32) -> (i32, i32) {
    %c0_i32 = arith.constant 0 : i32
    %c0_i32_0 = arith.constant 0 : i32
    return %arg0, %c0_i32 : i32, i32
  }
}

module attributes {stable_mosaic.version = 14 : i64} {
  func.func @_mm_body(%arg0: i32, %arg1: memref<2000x128xf32, #tpu.memory_space<vmem>>, %arg2: memref<1x4xf32, #tpu.memory_space<vmem>>, %arg3: memref<128x128xf32, #tpu.memory_space<vmem>>, %arg4: memref<4x128xf32, #tpu.memory_space<vmem>>, %arg5: memref<1x128xf32, #tpu.memory_space<vmem>>, %arg6: memref<2000x128xf32, #tpu.memory_space<vmem>>) attributes {dimension_semantics = [#tpu.dimension_semantics<arbitrary>], iteration_bounds = array<i64: 5>, scalar_prefetch = 0 : i64, scratch_operands = 0 : i64, tpu.core_type = #tpu.core_type<tc>, window_params = [{transform_indices = @transform_0, window_bounds = array<i64: 2000, 128>}, {pipeline_mode = #tpu.pipeline_mode<synchronous>, transform_indices = @transform_1, window_bounds = array<i64: 1, 4>}, {pipeline_mode = #tpu.pipeline_mode<synchronous>, transform_indices = @transform_2, window_bounds = array<i64: 128, 128>}, {pipeline_mode = #tpu.pipeline_mode<synchronous>, transform_indices = @transform_3, window_bounds = array<i64: 4, 128>}, {pipeline_mode = #tpu.pipeline_mode<synchronous>, transform_indices = @transform_4, window_bounds = array<i64: 1, 128>}, {transform_indices = @transform_5, window_bounds = array<i64: 2000, 128>}]} {
    %get3A = arith.constant 0 : index
    %get3A_0 = arith.constant 0 : index
    %get3A_1 = vector.load %arg1[%get3A, %get3A_0] : memref<2000x128xf32, #tpu.memory_space<vmem>>, vector<2000x128xf32>
    %get3A_2 = arith.constant 0 : index
    %get3A_3 = arith.constant 0 : index
    %get3A_4 = vector.load %arg3[%get3A_2, %get3A_3] : memref<128x128xf32, #tpu.memory_space<vmem>>, vector<128x128xf32>
    %dot_general3A = arith.constant dense<0.000000e+00> : vector<2000x128xf32>
    %dot_general3A_5 = tpu.matmul %get3A_1, %get3A_4, %dot_general3A {dimension_numbers = #tpu.dot_dimension_numbers<[1], [0], [0], [1], [0, 0, 1, 1], [], []>, transpose_lhs_hint = false} : vector<2000x128xf32>, vector<128x128xf32>, vector<2000x128xf32> -> vector<2000x128xf32>
    %get3A_6 = arith.constant 0 : index
    %get3A_7 = arith.constant 0 : index
    %get3A_8 = vector.load %arg2[%get3A_6, %get3A_7] : memref<1x4xf32, #tpu.memory_space<vmem>>, vector<1x4xf32>
    %get3A_9 = arith.constant 0 : index
    %get3A_10 = arith.constant 0 : index
    %get3A_11 = vector.load %arg4[%get3A_9, %get3A_10] : memref<4x128xf32, #tpu.memory_space<vmem>>, vector<4x128xf32>
    %dot_general3A_12 = arith.constant dense<0.000000e+00> : vector<1x128xf32>
    %dot_general3A_13 = tpu.matmul %get3A_8, %get3A_11, %dot_general3A_12 {dimension_numbers = #tpu.dot_dimension_numbers<[1], [0], [0], [1], [0, 0, 1, 1], [], []>, transpose_lhs_hint = false} : vector<1x4xf32>, vector<4x128xf32>, vector<1x128xf32> -> vector<1x128xf32>
    %add3A = vector.broadcast %dot_general3A_13 : vector<1x128xf32> to vector<2000x128xf32>
    %add3A_14 = arith.addf %dot_general3A_5, %add3A : vector<2000x128xf32>
    %get3A_15 = arith.constant 0 : index
    %get3A_16 = arith.constant 0 : index
    %get3A_17 = vector.load %arg5[%get3A_15, %get3A_16] : memref<1x128xf32, #tpu.memory_space<vmem>>, vector<1x128xf32>
    %add3A_18 = vector.broadcast %get3A_17 : vector<1x128xf32> to vector<2000x128xf32>
    %add3A_19 = arith.addf %add3A_14, %add3A_18 : vector<2000x128xf32>
    %swap3A = arith.constant 0 : index
    %swap3A_20 = arith.constant 0 : index
    %swap3A_21 = vector.load %arg6[%swap3A, %swap3A_20] : memref<2000x128xf32, #tpu.memory_space<vmem>>, vector<2000x128xf32>
    tpu.vector_store %arg6[%swap3A, %swap3A_20], %add3A_19 {strides = array<i32>} : memref<2000x128xf32, #tpu.memory_space<vmem>>, vector<2000x128xf32>,
    return
  }
  func.func @transform_0(%arg0: i32) -> (i32, i32) {
    %c0_i32 = arith.constant 0 : i32
    %c0_i32_0 = arith.constant 0 : i32
    return %arg0, %c0_i32 : i32, i32
  }
  func.func @transform_1(%arg0: i32) -> (i32, i32) {
    %c0_i32 = arith.constant 0 : i32
    %c0_i32_0 = arith.constant 0 : i32
    %c0_i32_1 = arith.constant 0 : i32
    return %c0_i32, %c0_i32_0 : i32, i32
  }
  func.func @transform_2(%arg0: i32) -> (i32, i32) {
    %c0_i32 = arith.constant 0 : i32
    %c0_i32_0 = arith.constant 0 : i32
    %c0_i32_1 = arith.constant 0 : i32
    return %c0_i32, %c0_i32_0 : i32, i32
  }
  func.func @transform_3(%arg0: i32) -> (i32, i32) {
    %c0_i32 = arith.constant 0 : i32
    %c0_i32_0 = arith.constant 0 : i32
    %c0_i32_1 = arith.constant 0 : i32
    return %c0_i32, %c0_i32_0 : i32, i32
  }
  func.func @transform_4(%arg0: i32) -> (i32, i32) {
    %c0_i32 = arith.constant 0 : i32
    %c0_i32_0 = arith.constant 0 : i32
    %c0_i32_1 = arith.constant 0 : i32
    return %c0_i32, %c0_i32_0 : i32, i32
  }
  func.func @transform_5(%arg0: i32) -> (i32, i32) {
    %c0_i32 = arith.constant 0 : i32
    %c0_i32_0 = arith.constant 0 : i32
    return %arg0, %c0_i32 : i32, i32
  }
}

</mosaic_0001>

<sc_bundles>
// kernel: kernel.5.cloned.1.call-start
scs
__scs_entry_jumppad:
0x0: {  	(pc) =	sbr.rel $0x88, $3  }
0x1: {  	(tag) =	ssettag $0x0;
	lr =	simm.s32 $0x1  }
0x2: {  	[smem:$0x3F9C] =	sst lr;
	_ =	strace $0xD0000000  }
0x3: {  	_ = 	snop  }
0x4: {  	_ = 	snop  }
0x5: {  	_ = 	snop  }
0x6: {  	_ = 	snop  }
0x7: {  	_ = 	snop  }
__scs_overlays_trampoline_lowered:
0x8: {  	[smem:$0x3FAB] =	sst s0  }
0x9: {  	[smem:$0x3FAC] =	sst s1  }
0xa: {  	[smem:$0x3FAD] =	sst s2  }
0xb: {  	[smem:$0x3FAE] =	sst s3  }
0xc: {  	[smem:$0x3FAF] =	sst s4  }
0xd: {  	[smem:$0x3FB0] =	sst s5  }
0xe: {  	[smem:$0x3FB1] =	sst s6  }
0xf: {  	[smem:$0x3FB2] =	sst s7  }
0x10: {  	[smem:$0x3FB3] =	sst s8  }
0x11: {  	[smem:$0x3FB4] =	sst s9;
	s0 =	simm.s32 @!p0 $0x0  }
0x12: {  	s1 =	sld [smem:$0x3F9A];
	s0 =	simm.s32 @p0 $0x1  }
0x13: {  	[smem:$0x3FB5] =	sst s0;
	s0 =	simm.s32 @!p1 $0x0  }
0x14: {  	s2 =	sld [smem:$0x3F99];
	s0 =	simm.s32 @p1 $0x1  }
0x15: {  	[smem:$0x3FB6] =	sst s0;
	s0 =	simm.s32 @!p2 $0x0  }
0x16: {  	s3 =	sld [smem:$0x3FDB];
	s0 =	simm.s32 @p2 $0x1  }
0x17: {  	s4 =	simm.s32 $0x1BF5;
	[smem:$0x3FB8] =	sst s0  }
0x18: {  	s0 =	sld [smem:$0x3F9B];
	_ =	swait.ge [sflag:s4], $0x0  }
0x19: {  	s7 =	sld [smem:$0x3F9C]  }
0x1a: {  	s8 =	sadd.s32 $0xFFFFE003, lr  }
0x1b: {  	s9 =	sadd.s32 $0xFFFFFEF7, lr;
	s5 =	simm.s32 $0xFFFFFFFF;
	p2 =	slt.u32 s8, $0xFFFFF086  }
0x1c: {  	p1 =	slt.u32 s9, $0xF7A;
	s5 =	simm.s32 @!p2 $0x0  }
0x1d: {  	s5 =	simm.s32 @p1 $0x1;
	p0 =	seq.s32 s7, s2  }
0x1e: {  	s7 =	smul.u32 @!p0 $0xF7A, s2;
	p2 =	seq.s32 @!p0 s5, $0x0  }
0x1f: {  	s9 =	smul.u32 $0xF7A, s1;
	s8 =	simm.s32 @!p0 $0x1BF5;
	p2 =	por !p2, p0  }
0x20: {  	[sflag:s8] =	ssyncset.s32 @!p0 $0xFFFFF086;
	s6 =	sadd.s32 @!p0 s3, s7;
	s7 =	simm.s32 @!p0 $0x108  }
0x21: {  	s3 =	sadd.s32 s3, s9;
	s6 =	sadd.s32 @!p0 $0x88, s6;
	s7 =	simm.s32 @p2 $0x1082  }
0x22: {  	[simem:s7], [sflag:s8] =	dma.local @!p0 [hbm:s6], $0xF7A  }
0x23: {  	s9 =	sor.u32 $0xD0000000, s2;
	s6 =	simm.s32 $0x108;
	_ =	swait.ge @!p0 [sflag:s8], $0x0  }
0x24: {  	s3 =	sadd.s32 $0x88, s3;
	s6 =	simm.s32 @!p1 $0x1082;
	[sflag:s4] =	ssyncset.s32 $0xFFFFF086  }
0x25: {  	[simem:s6], [sflag:s4] =	dma.local [hbm:s3], $0xF7A  }
0x26: {  	[smem:$0x3F9C] =	sst s1;
	(tag) =	ssettag s2;
	_ =	strace s9  }
0x27: {  	s1 =	sld [smem:$0x3FAC]  }
0x28: {  	s2 =	sld [smem:$0x3FAD]  }
0x29: {  	s4 =	sld [smem:$0x3FAF]  }
0x2a: {  	p0 =	seq.s32 s5, $0x0;
	s5 =	sld [smem:$0x3FB0]  }
0x2b: {  	s6 =	sld [smem:$0x3FB1]  }
0x2c: {  	s7 =	sld [smem:$0x3FB2]  }
0x2d: {  	s3 =	simm.s32 $0x108;
	s8 =	sld [smem:$0x3FB3]  }
0x2e: {  	s3 =	simm.s32 @!p0 $0x1082;
	s9 =	sld [smem:$0x3FB4]  }
0x2f: {  	lr =	sadd.s32 s0, s3;
	s0 =	sld [smem:$0x3FAB]  }
0x30: {  	s3 =	sld [smem:$0x3FAE]  }
0x31: {  	[smem:$0x3FB7] =	sst s10  }
0x32: {  	s10 =	sld [smem:$0x3FB5];
	_ =	sdelay $0x3  }
0x33: {  	p0 =	seq.s32 s10, $0x1;
	s10 =	sld [smem:$0x3FB7];
	_ =	sdelay $0x3  }
0x34: {  	[smem:$0x3FB7] =	sst s10  }
0x35: {  	s10 =	sld [smem:$0x3FB6];
	_ =	sdelay $0x3  }
0x36: {  	p1 =	seq.s32 s10, $0x1;
	s10 =	sld [smem:$0x3FB7];
	_ =	sdelay $0x3  }
0x37: {  	[smem:$0x3FB7] =	sst s10  }
0x38: {  	s10 =	sld [smem:$0x3FB8]  }
0x39: {  	_ = 	snop;
	(pc) =	sbr.ind lr, $3  }
0x3a: {  	_ = 	snop  }
0x3b: {  	_ = 	snop  }
0x3c: {  	p2 =	seq.s32 s10, $0x1;
	s10 =	sld [smem:$0x3FB7]  }
0x3d: {  	_ =	shalt  }
0x3e: {  	_ =	shalt  }
0x3f: {  	_ =	shalt  }
0x40: {  	_ =	shalt  }
0x41: {  	_ =	shalt  }
0x42: {  	_ =	shalt  }
0x43: {  	_ =	shalt  }
0x44: {  	_ =	shalt  }
0x45: {  	_ =	shalt  }
0x46: {  	_ =	shalt  }
0x47: {  	_ =	shalt  }
0x48: {  	_ =	shalt  }
0x49: {  	_ =	shalt  }
0x4a: {  	_ =	shalt  }
0x4b: {  	_ =	shalt  }
0x4c: {  	_ =	shalt  }
0x4d: {  	_ =	shalt  }
0x4e: {  	_ =	shalt  }
0x4f: {  	_ =	shalt  }
0x50: {  	_ =	shalt  }
0x51: {  	_ =	shalt  }
0x52: {  	_ =	shalt  }
0x53: {  	_ =	shalt  }
0x54: {  	_ =	shalt  }
0x55: {  	_ =	shalt  }
0x56: {  	_ =	shalt  }
0x57: {  	_ =	shalt  }
0x58: {  	_ =	shalt  }
0x59: {  	_ =	shalt  }
0x5a: {  	_ =	shalt  }
0x5b: {  	_ =	shalt  }
0x5c: {  	_ =	shalt  }
0x5d: {  	_ =	shalt  }
0x5e: {  	_ =	shalt  }
0x5f: {  	_ =	shalt  }
0x60: {  	_ =	shalt  }
0x61: {  	_ =	shalt  }
0x62: {  	_ =	shalt  }
0x63: {  	_ =	shalt  }
0x64: {  	_ =	shalt  }
0x65: {  	_ =	shalt  }
0x66: {  	_ =	shalt  }
0x67: {  	_ =	shalt  }
0x68: {  	_ =	shalt  }
0x69: {  	_ =	shalt  }
0x6a: {  	_ =	shalt  }
0x6b: {  	_ =	shalt  }
0x6c: {  	_ =	shalt  }
0x6d: {  	_ =	shalt  }
0x6e: {  	_ =	shalt  }
0x6f: {  	_ =	shalt  }
0x70: {  	_ =	shalt  }
0x71: {  	_ =	shalt  }
0x72: {  	_ =	shalt  }
0x73: {  	_ =	shalt  }
0x74: {  	_ =	shalt  }
0x75: {  	_ =	shalt  }
0x76: {  	_ =	shalt  }
0x77: {  	_ =	shalt  }
0x78: {  	_ =	shalt  }
0x79: {  	_ =	shalt  }
0x7a: {  	_ =	shalt  }
0x7b: {  	_ =	shalt  }
0x7c: {  	_ =	shalt  }
0x7d: {  	_ =	shalt  }
0x7e: {  	_ =	shalt  }
0x7f: {  	_ =	shalt  }
0x80: {  	_ =	shalt  }
0x81: {  	_ =	shalt  }
0x82: {  	_ =	shalt  }
0x83: {  	_ =	shalt  }
0x84: {  	_ =	shalt  }
0x85: {  	_ =	shalt  }
0x86: {  	_ =	shalt  }
0x87: {  	_ =	shalt  }
.Lfunc_end0:
.L_simem_size_0:
called_computation_lowered:
.L_overlay_start_0:
0x88: {  	s2 =	sld [smem:$0x3FD9]  }
0x89: {  	s3 =	sld [smem:$0x3FFE];
	_ =	sdelay $0x1  }
0x8a: {  	s1 =	srdreg.scid  }
0x8b: {  	s0 =	sand.u32 $0x1, s1  }
0x8c: {  	s17 =	sshll.u32 s0, $0xA;
	s2 =	sadd.s32 s3, s2  }
0x8d: {  	s2 =	sadd.s32 s2, s17  }
0x8e: {  	[smem:$0x3FC3] =	sst s2  }
0x8f: {  	_ = 	snop  }
0x90: {  	s2 =	sld [smem:$0x3FD0];
	(tm) =	ssettm $0x1  }
0x91: {  	s18 =	sld [smem:$0x3FFB];
	_ =	sdelay $0x3  }
0x92: {  	_ =	strace s18  }
0x93: {  	s3 =	sld [smem:$0x3FFC];
	_ =	sdelay $0x3  }
0x94: {  	_ =	strace s3  }
0x95: {  	s3 =	sld [smem:$0x3FFD];
	_ =	sdelay $0x3  }
0x96: {  	_ =	strace s3  }
0x97: {  	_ =	strace $0x8FFFFFFF  }
0x98: {  	s19 =	sld [smem:$0x3FDB];
	_ =	sdelay $0x1  }
0x99: {  	s4 =	simm.s32 $_scs_section_size  }
0x9a: {  	s5 =	simm.s32 $_size__tile_overlayer_lowered;
	s6 =	simm.s32 $_tile_overlayer_lowered  }
0x9b: {  	s22 =	simm.s32 $0x1BFF;
	s21 =	sshll.u32 s6, $0x1;
	s3 =	sadd.s32 s4, s19  }
0x9c: {  	s7 =	simm.s32 $0x0;
	s20 =	sshll.u32 s5, $0x1;
	s5 =	sadd.s32 s21, s3  }
0x9d: {  	[timem:s7], [sflag:s22] =	dma.local [hbm:s5], s20  }
0x9e: {  	_ =	swait.ge [sflag:s22], s20  }
0x9f: {  	s4 =	ssub.s32 $0x0, s20;
	[sflag:s22] =	ssyncset.done $0x0  }
0xa0: {  	[sflag:s22] =	ssyncadd.s32 s4;
	_ =	sdelay $0x1  }
0xa1: {  	s23 =	simm.s32 $0x1B8B  }
0xa2: {  	_ =	swait.ge [sflag:s23], $0x1  }
0xa3: {  	[sflag:s23] =	ssyncset.done $0x0  }
0xa4: {  	s25 =	simm.s32 $0x1B8E;
	s24 =	sld [smem:$0x3FFE];
	[sflag:s23] =	ssyncadd.s32 $0xFFFFFFFF  }
0xa5: {  	s26 =	simm.s32 $execute0_lowered;
	[smem:$0x3FD2] =	sst s25  }
0xa6: {  	s5 =	sshll.u32 s26, $0x1;
	_ =	strace $0x80000046;
	[dreg:$0x1] =	wrdreg $0xFFFFFFFF  }
0xa7: {  	s28 =	simm.s32 $_size_execute0_lowered;
	s3 =	sadd.s32 s3, s5;
	[dreg:$0x0] =	wrdreg $0x0  }
0xa8: {  	s5 =	sshll.u32 s28, $0x1;
	[dreg:$0x2] =	wrdreg s3  }
0xa9: {  	[dreg:$0x3] =	wrdreg s5  }
0xaa: {  	[dreg:$0x4] =	wrdreg $0xC0  }
0xab: {  	_ =	task [dreg:s7], $0x5FFFF  }
0xac: {  	[dreg:$0x1] =	wrdreg $0xFFFFFFFF  }
0xad: {  	[dreg:$0x0] =	wrdreg $0x60  }
0xae: {  	[dreg:$0x2] =	wrdreg s2  }
0xaf: {  	[dreg:$0x3] =	wrdreg s24  }
0xb0: {  	[dreg:$0x4] =	wrdreg $0xA8000  }
0xb1: {  	[dreg:$0x5] =	wrdreg $0x9  }
0xb2: {  	_ =	task.clear_ibuf [dreg:s7], $0x6FFFF;
	_ =	strace $0x90000046  }
0xb3: {  	s29 =	simm.s32 $0x9;
	_ =	strace $0x80000048  }
0xb4: {  	_ =	swait.ge [sflag:s29], $0x1  }
0xb5: {  	[sflag:s29] =	ssyncadd.s32 $0xFFFFFFFF  }
0xb6: {  	_ =	strace $0x90000048  }
0xb7: {  	_ =	sfence  }
0xb8: {  	s30 =	sld [smem:$0x0];
	_ =	sdelay $0x2  }
0xb9: {  	s31 =	sshll.u32 s1, $0xD;
	s1 =	sshrl.u32 s1, $0x2  }
0xba: {  	s3 =	sand.u32 $0x4000, s31;
	s1 =	sadd.s32 s1, s30  }
0xbb: {  	s0 =	sor.u32 s3, s0;
	s1 =	sshll.u32 s1, $0x11  }
0xbc: {  	s0 =	sor.u32 s1, s0  }
0xbd: {  	s0 =	sadd.s32 $0x8F2B, s0  }
0xbe: {  	[sflag:s0] =	ssyncadd.remote.s32 $0x1  }
0xbf: {  	_ =	sfence.sel $0xFFFF  }
0xc0: {  	[dreg:$0x0] =	wrdreg $0xFFFFFFFF;
	(pc) =	sbr.abs _section_cstart, $3  }
0xc1: {  	[dreg:$0x1] =	wrdreg $0xFFFFFFFF  }
0xc2: {  	_ =	task.clear_ibuf [dreg:s7], $0x2FFFF;
	_ =	strace $0x9FFFFFFF  }
0xc3: {  	(tm) =	ssettm $0x7FFFFFFF  }
tec
execute0_lowered:
.L_overlay_start_1:
0x0: {  	(tag) =	ssettag $0x1  }
0x1: {  	s1 =	rddreg [dreg:$0x0]  }
0x2: {  	s0 =	rddreg [dreg:$0x1]  }
0x3: {  	s2 =	rddreg [dreg:$0x2];
	s3 =	simm.s32 $0x0  }
0x4: {  	s5 =	srdreg.scid;
	s4 =	stileid.u32;
	s20 =	simm.s32 $0x2800  }
0x5: {  	s21 =	simm.s32 $0x3;
	s22 =	simm.s32 $0x1400;
	s23 =	simm.s32 $0x80  }
0x6: {  	s28 =	simm.s32 $0x2;
	s29 =	simm.s32 $0x2700;
	s30 =	simm.s32 $0x2780  }
0x7: {  	[smem:$0x7FF] =	sst s3;
	s14 =	sadd.s32 $0xB200, s0;
	s6 =	smul.u32 $0x4E400, s4  }
0x8: {  	s16 =	sand.u32 $0x1, s5;
	s15 =	sadd.s32 $0x1200, s0;
	s18 =	smul.u32 $0x4E000, s4  }
0x9: {  	s5 =	sadd.s32 $0x15200, s0;
	s19 =	smul.u32 $0x2700, s4;
	s25 =	sadd.s32 $0x138000, s2  }
0xa: {  	p1 =	sne.s32 s4, $0x0;
	p2 =	seq.s32 s4, $0x0;
	_ =	strace $0x80000047  }
0xb: {  	s7 =	sshll.u32 s16, $0x4;
	s8 =	ssub.s32 $0x2, s16;
	p0 =	seq.s32 s16, $0x1  }
0xc: {  	s31 =	sshrl.u32 s25, $0x3;
	s7 =	sor.u32 s4, s7;
	s6 =	sshrl.u32 s6, $0x2  }
0xd: {  	s9 =	sshrl.u32 s8, $0x1;
	s26 =	sshrl.u32 s18, $0x2;
	[dreg:$0x4] =	wrdreg s31  }
0xe: {  	s6 =	sadd.s32 s6, s2;
	s11 =	smul.u32 $0x2800, s7;
	s7 =	sadd.s32 $0x3C400, s0  }
0xf: {  	s24 =	ssub.s32 s8, s9;
	s16 =	sadd.s32 s26, s2;
	s26 =	simm.s32 $0x1  }
.Ltmp0:
0x10: {  	s8 =	sadd.s32 $0x4000, s6;
	s9 =	sadd.s32 $0x8000, s6;
	(pc) =	sbr.rel .LBB2_1-.Ltmp0, $4  }
0x11: {  	s10 =	sadd.s32 $0xC000, s6;
	s18 =	sadd.s32 s7, s19;
	s17 =	sshrl.u32 s11, $0x3  }
0x12: {  	s12 =	sadd.s32 s14, s17;
	s13 =	sadd.s32 s15, s17;
	s17 =	sadd.s32 $0x280, s17  }
0x13: {  	s11 =	sadd.s32 $0x10000, s6;
	s14 =	sadd.s32 s14, s17;
	s15 =	sadd.s32 s15, s17  }
0x14: {  	v0 =	vimm.f32 $0.0e+00;
	s17 =	sadd.s32 s5, s19;
	s19 =	smax.u32 s24, $0x1;
	s24 =	simm.s32 $0x6800  }
.LBB2_10:
0x15: {  	s25 =	sadd.s32 $0x27000, s25;
	s31 =	rddreg [dreg:$0x4]  }
0x16: {  	[hbm:s25], [sflag:s0] =	dma.local [spmem:s31], $0x100  }
0x17: {  	_ =	swait.ge [sflag:s21], $0x100  }
0x18: {  	[sflag:s21] =	ssyncset.done $0x0  }
0x19: {  	[sflag:s21] =	ssyncadd.s32 $0xFFFFFF00  }
.LBB2_11:
0x1a: {  	s3 =	sadd.s32 $0x1, s3  }
0x1b: {  	p3 =	sne.s32 s3, s19  }
.Ltmp1:
0x1c: {  	_ = 	snop;
	(pc) =	sbr.rel @!p3 .LBB2_12-.Ltmp1, $1  }
0x1d: {  	_ =	sdelay $0x3  }
.LBB2_1:
0x1e: {  	s31 =	simm.s32 $0x0;
	s0 =	simm.s32 $0x200  }
.LBB2_2:
0x1f: {  	p3 =	sne.s32 s0, $0xFE00;
	[tilespmem:s31+$0x2870] =	vst v0  }
0x20: {  	[tilespmem:s31+$0x2800] =	vst v0  }
0x21: {  	[tilespmem:s31+$0x2810] =	vst v0  }
.Ltmp2:
0x22: {  	[tilespmem:s31+$0x2820] =	vst v0;
	(pc) =	sbr.rel @p3 .LBB2_2-.Ltmp2, $4  }
0x23: {  	[tilespmem:s31+$0x2830] =	vst v0  }
0x24: {  	[tilespmem:s31+$0x2840] =	vst v0  }
0x25: {  	[tilespmem:s31+$0x2850] =	vst v0  }
0x26: {  	[tilespmem:s31+$0x2860] =	vst v0;
	s31 =	sshra.s32 s0, $0x2;
	s0 =	sadd.s32 $0x200, s0  }
0x27: {  	[tilespmem:s31+$0x2870] =	vst v0  }
0x28: {  	[tilespmem:s31+$0x2800] =	vst v0  }
0x29: {  	[tilespmem:s31+$0x2810] =	vst v0  }
0x2a: {  	[tilespmem:s31+$0x2820] =	vst v0  }
0x2b: {  	[tilespmem:s31+$0x2830] =	vst v0  }
0x2c: {  	[tilespmem:s31+$0x2840] =	vst v0  }
0x2d: {  	[tilespmem:s31+$0x2850] =	vst v0  }
0x2e: {  	[tilespmem:s31+$0x2860] =	vst v0  }
0x2f: {  	[spmem:s6] =	stream.linear.scatter [tilespmem:s20], [sflag:$0x3], $0x4000, $0x38;
	[tilespmem:$0x1E100] =	vst v63  }
0x30: {  	_ =	swait.ge [sflag:s21], $0x4000  }
0x31: {  	[sflag:s21] =	ssyncset.done $0x0  }
0x32: {  	[sflag:s21] =	ssyncadd.s32 $0xFFFFC000  }
0x33: {  	[spmem:s8] =	stream.linear.scatter [tilespmem:s20], [sflag:$0x3], $0x4000, $0x38;
	[tilespmem:$0x1E100] =	vst v63  }
0x34: {  	_ =	swait.ge [sflag:s21], $0x4000  }
0x35: {  	[sflag:s21] =	ssyncset.done $0x0  }
0x36: {  	[sflag:s21] =	ssyncadd.s32 $0xFFFFC000  }
0x37: {  	[spmem:s9] =	stream.linear.scatter [tilespmem:s20], [sflag:$0x3], $0x4000, $0x38;
	[tilespmem:$0x1E100] =	vst v63  }
0x38: {  	_ =	swait.ge [sflag:s21], $0x4000  }
0x39: {  	[sflag:s21] =	ssyncset.done $0x0  }
0x3a: {  	[sflag:s21] =	ssyncadd.s32 $0xFFFFC000  }
0x3b: {  	[spmem:s10] =	stream.linear.scatter [tilespmem:s20], [sflag:$0x3], $0x4000, $0x38;
	[tilespmem:$0x1E100] =	vst v63  }
0x3c: {  	_ =	swait.ge [sflag:s21], $0x4000  }
0x3d: {  	[sflag:s21] =	ssyncset.done $0x0  }
0x3e: {  	[sflag:s21] =	ssyncadd.s32 $0xFFFFC000  }
0x3f: {  	[spmem:s11] =	stream.linear.scatter [tilespmem:s20], [sflag:$0x3], $0x3900, $0x38;
	[tilespmem:$0x1E100] =	vst v63  }
0x40: {  	_ =	swait.ge [sflag:s21], $0x3900  }
0x41: {  	[sflag:s21] =	ssyncset.done $0x0  }
0x42: {  	[sflag:s21] =	ssyncadd.s32 $0xFFFFC700  }
0x43: {  	s0 =	simm.s32 $0x0;
	[bflag:$0x0] =	sbarrier.arrive $0xFFFF  }
0x44: {  	[tilespmem:s0], [sflag:$0x3] =	stream.linear.gather [hbm4b:s12+s0], $0x1400, $0x38;
	[tilespmem:$0x1E100] =	vst v63  }
0x45: {  	_ =	swait.ge [sflag:s21], $0x1400  }
0x46: {  	[sflag:s21] =	ssyncset.done $0x0  }
0x47: {  	[sflag:s21] =	ssyncadd.s32 $0xFFFFEC00  }
0x48: {  	[tilespmem:s22], [sflag:$0x3] =	stream.linear.gather [hbm4b:s13+s0], $0x1400, $0x38;
	[tilespmem:$0x1E100] =	vst v63  }
0x49: {  	_ =	swait.ge [sflag:s21], $0x1400  }
0x4a: {  	[sflag:s21] =	ssyncset.done $0x0  }
0x4b: {  	[sflag:s21] =	ssyncadd.s32 $0xFFFFEC00  }
0x4c: {  	[tilespmem:s20], [sflag:$0x1] =	stream.indirect.gather [hbm4b:s1+s23], $0x80, s0, s23, $0xb8;
	[tilespmem:$0x1E100] =	vst v63  }
0x4d: {  	_ = 	snop  }
0x4e: {  	[tilespmem:s24], [sflag:$0x2] =	stream.indirect.gather [hbm4b:s1+s23], $0x80, s23, s23, $0xb8;
	[tilespmem:$0x1E100] =	vst v63  }
0x4f: {  	_ =	swait.ge [sflag:s26], $0x4000  }
0x50: {  	[sflag:s26] =	ssyncset.done $0x0  }
0x51: {  	s25 =	simm.s32 $0x1400;
	[sflag:s26] =	ssyncadd.s32 $0xFFFFC000  }
0x52: {  	[spmem:s2] =	stream.indirect.scatter.add.f32 [tilespmem:s20], [sflag:$0x3], $0x80, s25, s23, $0xb8;
	[tilespmem:$0x1E100] =	vst v63  }
0x53: {  	_ =	swait.ge [sflag:s21], $0x4000  }
0x54: {  	[sflag:s21] =	ssyncset.done $0x0  }
0x55: {  	s25 =	simm.s32 $0x100;
	[sflag:s21] =	ssyncadd.s32 $0xFFFFC000  }
0x56: {  	[tilespmem:s20], [sflag:$0x1] =	stream.indirect.gather [hbm4b:s1+s23], $0x80, s25, s23, $0xb8;
	[tilespmem:$0x1E100] =	vst v63  }
0x57: {  	_ =	swait.ge [sflag:s28], $0x4000  }
0x58: {  	[sflag:s28] =	ssyncset.done $0x0  }
0x59: {  	s25 =	simm.s32 $0x1480;
	[sflag:s28] =	ssyncadd.s32 $0xFFFFC000  }
0x5a: {  	[spmem:s2] =	stream.indirect.scatter.add.f32 [tilespmem:s24], [sflag:$0x3], $0x80, s25, s23, $0xb8;
	[tilespmem:$0x1E100] =	vst v63  }
0x5b: {  	_ =	swait.ge [sflag:s21], $0x4000  }
0x5c: {  	[sflag:s21] =	ssyncset.done $0x0  }
0x5d: {  	s31 =	simm.s32 $0x400;
	s0 =	simm.s32 $0x180;
	[sflag:s21] =	ssyncadd.s32 $0xFFFFC000  }
.LBB2_4:
0x5e: {  	[tilespmem:s24], [sflag:$0x2] =	stream.indirect.gather [hbm4b:s1+s23], $0x80, s0, s23, $0xb8;
	[tilespmem:$0x1E100] =	vst v63  }
0x5f: {  	s0 =	smov.u32 s31  }
0x60: {  	p3 =	sne.s32 s31, $0x4800;
	s31 =	sadd.s32 $0x400, s31;
	_ =	swait.ge [sflag:s26], $0x4000  }
0x61: {  	s0 =	sshra.s32 s0, $0x2;
	[sflag:s26] =	ssyncset.done $0x0  }
0x62: {  	s25 =	sadd.s32 $0x1400, s0;
	[sflag:s26] =	ssyncadd.s32 $0xFFFFC000  }
0x63: {  	[spmem:s2] =	stream.indirect.scatter.add.f32 [tilespmem:s20], [sflag:$0x3], $0x80, s25, s23, $0xb8;
	[tilespmem:$0x1E100] =	vst v63  }
0x64: {  	_ =	swait.ge [sflag:s21], $0x4000  }
0x65: {  	[sflag:s21] =	ssyncset.done $0x0  }
0x66: {  	s25 =	sadd.s32 $0x100, s0;
	[sflag:s21] =	ssyncadd.s32 $0xFFFFC000  }
0x67: {  	[tilespmem:s20], [sflag:$0x1] =	stream.indirect.gather [hbm4b:s1+s23], $0x80, s25, s23, $0xb8;
	[tilespmem:$0x1E100] =	vst v63  }
0x68: {  	_ =	swait.ge [sflag:s28], $0x4000  }
0x69: {  	[sflag:s28] =	ssyncset.done $0x0  }
.Ltmp3:
0x6a: {  	s25 =	sadd.s32 $0x1480, s0;
	[sflag:s28] =	ssyncadd.s32 $0xFFFFC000;
	(pc) =	sbr.rel @p3 .LBB2_4-.Ltmp3, $4  }
0x6b: {  	[spmem:s2] =	stream.indirect.scatter.add.f32 [tilespmem:s24], [sflag:$0x3], $0x80, s25, s23, $0xb8;
	[tilespmem:$0x1E100] =	vst v63  }
0x6c: {  	_ =	swait.ge [sflag:s21], $0x4000  }
0x6d: {  	[sflag:s21] =	ssyncset.done $0x0  }
0x6e: {  	s0 =	sadd.s32 $0x180, s0;
	[sflag:s21] =	ssyncadd.s32 $0xFFFFC000  }
0x6f: {  	[tilespmem:s24], [sflag:$0x2] =	stream.indirect.gather [hbm4b:s1+s23], $0x80, s0, s23, $0xb8;
	[tilespmem:$0x1E100] =	vst v63  }
0x70: {  	_ =	swait.ge [sflag:s26], $0x4000  }
0x71: {  	[sflag:s26] =	ssyncset.done $0x0  }
0x72: {  	[sflag:s26] =	ssyncadd.s32 $0xFFFFC000  }
0x73: {  	[spmem:s2] =	stream.indirect.scatter.add.f32 [tilespmem:s20], [sflag:$0x3], $0x80, s29, s23, $0xb8;
	[tilespmem:$0x1E100] =	vst v63  }
0x74: {  	_ =	swait.ge [sflag:s21], $0x4000  }
0x75: {  	[sflag:s21] =	ssyncset.done $0x0  }
0x76: {  	[sflag:s21] =	ssyncadd.s32 $0xFFFFC000  }
0x77: {  	_ =	swait.ge [sflag:s28], $0x4000  }
0x78: {  	[sflag:s28] =	ssyncset.done $0x0  }
0x79: {  	[sflag:s28] =	ssyncadd.s32 $0xFFFFC000  }
0x7a: {  	[spmem:s2] =	stream.indirect.scatter.add.f32 [tilespmem:s24], [sflag:$0x3], $0x80, s30, s23, $0xb8;
	[tilespmem:$0x1E100] =	vst v63  }
0x7b: {  	_ =	swait.ge [sflag:s21], $0x4000  }
0x7c: {  	[sflag:s21] =	ssyncset.done $0x0  }
0x7d: {  	s25 =	simm.s32 $0x0;
	[sflag:s21] =	ssyncadd.s32 $0xFFFFC000  }
0x7e: {  	[tilespmem:s25], [sflag:$0x3] =	stream.linear.gather [hbm4b:s14+s25], $0x1400, $0x38;
	[tilespmem:$0x1E100] =	vst v63  }
0x7f: {  	_ =	swait.ge [sflag:s21], $0x1400  }
0x80: {  	[sflag:s21] =	ssyncset.done $0x0  }
0x81: {  	[sflag:s21] =	ssyncadd.s32 $0xFFFFEC00  }
0x82: {  	[tilespmem:s22], [sflag:$0x3] =	stream.linear.gather [hbm4b:s15+s25], $0x1400, $0x38;
	[tilespmem:$0x1E100] =	vst v63  }
0x83: {  	_ =	swait.ge [sflag:s21], $0x1400  }
0x84: {  	[sflag:s21] =	ssyncset.done $0x0  }
0x85: {  	[sflag:s21] =	ssyncadd.s32 $0xFFFFEC00  }
0x86: {  	[tilespmem:s20], [sflag:$0x1] =	stream.indirect.gather [hbm4b:s1+s23], $0x80, s25, s23, $0xb8;
	[tilespmem:$0x1E100] =	vst v63  }
0x87: {  	_ = 	snop  }
0x88: {  	[tilespmem:s24], [sflag:$0x2] =	stream.indirect.gather [hbm4b:s1+s23], $0x80, s23, s23, $0xb8;
	[tilespmem:$0x1E100] =	vst v63  }
0x89: {  	_ =	swait.ge [sflag:s26], $0x4000  }
0x8a: {  	[sflag:s26] =	ssyncset.done $0x0  }
0x8b: {  	s25 =	simm.s32 $0x1400;
	[sflag:s26] =	ssyncadd.s32 $0xFFFFC000  }
0x8c: {  	[spmem:s2] =	stream.indirect.scatter.add.f32 [tilespmem:s20], [sflag:$0x3], $0x80, s25, s23, $0xb8;
	[tilespmem:$0x1E100] =	vst v63  }
0x8d: {  	_ =	swait.ge [sflag:s21], $0x4000  }
0x8e: {  	[sflag:s21] =	ssyncset.done $0x0  }
0x8f: {  	s25 =	simm.s32 $0x100;
	[sflag:s21] =	ssyncadd.s32 $0xFFFFC000  }
0x90: {  	[tilespmem:s20], [sflag:$0x1] =	stream.indirect.gather [hbm4b:s1+s23], $0x80, s25, s23, $0xb8;
	[tilespmem:$0x1E100] =	vst v63  }
0x91: {  	_ =	swait.ge [sflag:s28], $0x4000  }
0x92: {  	[sflag:s28] =	ssyncset.done $0x0  }
0x93: {  	s25 =	simm.s32 $0x1480;
	[sflag:s28] =	ssyncadd.s32 $0xFFFFC000  }
0x94: {  	[spmem:s2] =	stream.indirect.scatter.add.f32 [tilespmem:s24], [sflag:$0x3], $0x80, s25, s23, $0xb8;
	[tilespmem:$0x1E100] =	vst v63  }
0x95: {  	_ =	swait.ge [sflag:s21], $0x4000  }
0x96: {  	[sflag:s21] =	ssyncset.done $0x0  }
0x97: {  	s31 =	simm.s32 $0x400;
	s0 =	simm.s32 $0x180;
	[sflag:s21] =	ssyncadd.s32 $0xFFFFC000  }
.LBB2_6:
0x98: {  	[tilespmem:s24], [sflag:$0x2] =	stream.indirect.gather [hbm4b:s1+s23], $0x80, s0, s23, $0xb8;
	[tilespmem:$0x1E100] =	vst v63  }
0x99: {  	s0 =	smov.u32 s31  }
0x9a: {  	p3 =	sne.s32 s31, $0x4800;
	s31 =	sadd.s32 $0x400, s31;
	_ =	swait.ge [sflag:s26], $0x4000  }
0x9b: {  	s0 =	sshra.s32 s0, $0x2;
	[sflag:s26] =	ssyncset.done $0x0  }
0x9c: {  	s25 =	sadd.s32 $0x1400, s0;
	[sflag:s26] =	ssyncadd.s32 $0xFFFFC000  }
0x9d: {  	[spmem:s2] =	stream.indirect.scatter.add.f32 [tilespmem:s20], [sflag:$0x3], $0x80, s25, s23, $0xb8;
	[tilespmem:$0x1E100] =	vst v63  }
0x9e: {  	_ =	swait.ge [sflag:s21], $0x4000  }
0x9f: {  	[sflag:s21] =	ssyncset.done $0x0  }
0xa0: {  	s25 =	sadd.s32 $0x100, s0;
	[sflag:s21] =	ssyncadd.s32 $0xFFFFC000  }
0xa1: {  	[tilespmem:s20], [sflag:$0x1] =	stream.indirect.gather [hbm4b:s1+s23], $0x80, s25, s23, $0xb8;
	[tilespmem:$0x1E100] =	vst v63  }
0xa2: {  	_ =	swait.ge [sflag:s28], $0x4000  }
0xa3: {  	[sflag:s28] =	ssyncset.done $0x0  }
.Ltmp4:
0xa4: {  	s25 =	sadd.s32 $0x1480, s0;
	[sflag:s28] =	ssyncadd.s32 $0xFFFFC000;
	(pc) =	sbr.rel @p3 .LBB2_6-.Ltmp4, $4  }
0xa5: {  	[spmem:s2] =	stream.indirect.scatter.add.f32 [tilespmem:s24], [sflag:$0x3], $0x80, s25, s23, $0xb8;
	[tilespmem:$0x1E100] =	vst v63  }
0xa6: {  	_ =	swait.ge [sflag:s21], $0x4000  }
0xa7: {  	[sflag:s21] =	ssyncset.done $0x0  }
0xa8: {  	s0 =	sadd.s32 $0x180, s0;
	[sflag:s21] =	ssyncadd.s32 $0xFFFFC000  }
0xa9: {  	[tilespmem:s24], [sflag:$0x2] =	stream.indirect.gather [hbm4b:s1+s23], $0x80, s0, s23, $0xb8;
	[tilespmem:$0x1E100] =	vst v63  }
0xaa: {  	_ =	swait.ge [sflag:s26], $0x4000  }
0xab: {  	[sflag:s26] =	ssyncset.done $0x0  }
0xac: {  	[sflag:s26] =	ssyncadd.s32 $0xFFFFC000  }
0xad: {  	[spmem:s2] =	stream.indirect.scatter.add.f32 [tilespmem:s20], [sflag:$0x3], $0x80, s29, s23, $0xb8;
	[tilespmem:$0x1E100] =	vst v63  }
0xae: {  	_ =	swait.ge [sflag:s21], $0x4000  }
0xaf: {  	[sflag:s21] =	ssyncset.done $0x0  }
0xb0: {  	[sflag:s21] =	ssyncadd.s32 $0xFFFFC000  }
0xb1: {  	_ =	swait.ge [sflag:s28], $0x4000  }
0xb2: {  	[sflag:s28] =	ssyncset.done $0x0  }
0xb3: {  	[sflag:s28] =	ssyncadd.s32 $0xFFFFC000  }
0xb4: {  	[spmem:s2] =	stream.indirect.scatter.add.f32 [tilespmem:s24], [sflag:$0x3], $0x80, s30, s23, $0xb8;
	[tilespmem:$0x1E100] =	vst v63  }
.Ltmp5:
0xb5: {  	_ =	swait.ge [sflag:s21], $0x4000;
	(pc) =	sbr.rel @!p0 .LBB2_8-.Ltmp5, $4  }
0xb6: {  	[sflag:s21] =	ssyncset.done $0x0  }
0xb7: {  	[sflag:s21] =	ssyncadd.s32 $0xFFFFC000  }
0xb8: {  	s25 =	sshll.u32 s4, $0x6;
	[bflag:$0x0] =	sbarrier.arrive $0xFFFF  }
0xb9: {  	s31 =	sshrl.u32 s16, $0x3;
	s0 =	sor.u32 $0x1C03, s25  }
0xba: {  	s0 =	sor.u32 $0x1C03, s25  }
0xbb: {  	[hbm:s18], [sflag:s0] =	dma.local [spmem:s31], $0x2700  }
.Ltmp6:
0xbc: {  	_ = 	snop;
	(pc) =	sbr.rel @p1 .LBB2_11-.Ltmp6, $4  }
.Ltmp7:
0xbd: {  	_ = 	snop;
	(pc) =	sbr.rel @!p1 .LBB2_10-.Ltmp7, $4  }
0xbe: {  	_ =	swait.ge [sflag:s21], $0x2700  }
0xbf: {  	[sflag:s21] =	ssyncset.done $0x0  }
0xc0: {  	s25 =	smov.u32 s7;
	[sflag:s21] =	ssyncadd.s32 $0xFFFFD900  }
0xc1: {  	_ = 	snop  }
.LBB2_8:
0xc2: {  	[hbm:s17], [sflag:s0] =	dma.local [spmem:s31], $0x2700  }
.Ltmp8:
0xc3: {  	_ = 	snop;
	(pc) =	sbr.rel @!p2 .LBB2_11-.Ltmp8, $4  }
.Ltmp9:
0xc4: {  	_ = 	snop;
	(pc) =	sbr.rel @p2 .LBB2_10-.Ltmp9, $4  }
0xc5: {  	_ =	swait.ge [sflag:s21], $0x2700  }
0xc6: {  	[sflag:s21] =	ssyncset.done $0x0  }
0xc7: {  	s25 =	smov.u32 s5;
	[sflag:s21] =	ssyncadd.s32 $0xFFFFD900  }
0xc8: {  	_ = 	snop  }
.LBB2_12:
0xc9: {  	_ =	sfence.sel $0x180000  }
0xca: {  	[bflag:$0x0] =	sbarrier.arrive $0xFFFF  }
0xcb: {  	_ =	strace $0x90000047  }
0xcc: {  	[bflag:$0x2] =	sbarrier.arrive $0xFFFF  }
0xcd: {  	s0 =	rddreg [dreg:$0x3]  }
0xce: {  	s0 =	sadd.s32 @!p1 $0x100000, s0  }
0xcf: {  	[sflag:s0] =	ssyncadd.tile.s32 @!p1 $0x1;
	_ =	shalt  }
.Lfunc_end2:
_tile_overlayer_lowered:
.L_overlay_start_2:
0xd0: {  	(tag) =	ssettag $0x2  }
0xd1: {  	s0 =	rddreg [dreg:$0x0];
	s2 =	stileid.u32  }
0xd2: {  	s1 =	rddreg [dreg:$0x1];
	p0 =	sne.s32 s2, $0x0  }
0xd3: {  	s3 =	rddreg [dreg:$0x2];
	[bflag:$0x3] =	sbarrier.arrive $0xFFFF;
	s2 =	simm.s32 @!p0 $0x1C03  }
0xd4: {  	[timem:s3], [sflag:s2] =	dma.local @!p0 [hbm:s0], s1  }
0xd5: {  	s0 =	simm.s32 @!p0 $0x3  }
0xd6: {  	_ =	swait.ge @!p0 [sflag:s0], s1  }
0xd7: {  	s1 =	ssub.s32 @!p0 $0x0, s1;
	[sflag:s0] =	ssyncset.done @!p0 $0x0  }
0xd8: {  	[sflag:s0] =	ssyncadd.s32 @!p0 s1  }
0xd9: {  	[bflag:$0x3] =	sbarrier.arrive $0xFFFF  }
0xda: {  	_ =	shalt  }

</sc_bundles>
